<compile_context>
chip_gen: v7x
topology: tpu7x:2x2x1
jax: 0.10.2.dev20260603
libtpu: 0.0.44.dev20260713+nightly
codegen_flags: <defaults>
</compile_context>

<pallas_src>
import functools

import jax
import jax.numpy as jnp
from jax import lax
from jax.experimental import pallas as pl
from jax.experimental.pallas import tpu as pltpu
from jax.experimental.pallas import tpu_sc as plsc

MAX_SEQ_LEN = 8192
D_MODEL = 1024
BATCH = 4
SEQ = 8192
B_TOTAL = BATCH * SEQ

NUM_CORES = 2
NUM_SUBCORES = 16
NW = NUM_CORES * NUM_SUBCORES
B_PER_W = B_TOTAL // NW

NBUF = 3
REG = 32
GCH = 8
GPER = REG // GCH
NREG = B_PER_W // REG
NGRP = 9

_mesh = plsc.VectorSubcoreMesh(core_axis_name="c", subcore_axis_name="s")


@functools.partial(
    pl.kernel,
    mesh=_mesh,
    out_type=jax.ShapeDtypeStruct((B_TOTAL, D_MODEL), jnp.float32),
    scratch_types=[
        pltpu.VMEM((B_PER_W,), jnp.int32),
    ]
    + [pltpu.VMEM((REG, D_MODEL), jnp.float32) for _ in range(NBUF)]
    + [pltpu.SemaphoreType.DMA for _ in range(2 * NBUF)],
)
def _gather_rows(table_hbm, idx_hbm, out_hbm, idx_v, *bufs_and_sems):
    bufs = bufs_and_sems[:NBUF]
    gsems = bufs_and_sems[NBUF : 2 * NBUF]
    wsems = bufs_and_sems[2 * NBUF : 3 * NBUF]

    wid = lax.axis_index("s") * NUM_CORES + lax.axis_index("c")
    base = wid * B_PER_W
    pltpu.sync_copy(idx_hbm.at[pl.ds(base, B_PER_W)], idx_v)

    def start_gather(reg, r):
        for g in range(GPER):
            idx_slice = idx_v.at[pl.ds(reg * REG + g * GCH, GCH)]
            pltpu.async_copy(
                table_hbm.at[idx_slice], bufs[r].at[pl.ds(g * GCH, GCH)], gsems[r]
            )

    def wait_gather(r):
        pltpu.make_async_copy(table_hbm.at[pl.ds(0, REG)], bufs[r], gsems[r]).wait()

    def start_write(reg, r):
        pltpu.async_copy(bufs[r], out_hbm.at[pl.ds(base + reg * REG, REG)], wsems[r])

    def wait_write(r):
        pltpu.make_async_copy(bufs[r], out_hbm.at[pl.ds(base, REG)], wsems[r]).wait()

    for r in range(NBUF):
        start_gather(r, r)

    def body(grp, _):
        r0 = grp * NBUF
        for r in range(NBUF):
            wait_gather(r)
            start_write(r0 + r, r)
        for r in range(NBUF):
            wait_write(r)
            start_gather(r0 + NBUF + r, r)
        return ()

    lax.fori_loop(0, NGRP, body, ())

    r0 = NGRP * NBUF
    for r in range(NBUF):
        wait_gather(r)
        start_write(r0 + r, r)
    for r in range(2):
        wait_write(r)
        start_gather(r0 + NBUF + r, r)
    wait_write(2)
    for r in range(2):
        wait_gather(r)
        start_write(r0 + NBUF + r, r)
    for r in range(2):
        wait_write(r)


def kernel(pos_table, src_seq):
    flat_idx = src_seq.reshape(-1).astype(jnp.int32)
    out = _gather_rows(pos_table, flat_idx)
    return out.reshape(BATCH, SEQ, D_MODEL)

# --- scband reference (transcript-rebuilt; emitter-appended) ---
"""Pipeline reference for scband-position-embedding-28063316312681 (READ-ONLY COPY).

The authoritative reference and input builder live on the scoring server;
editing this copy changes nothing except your own understanding.
"""

import jax, jax.numpy as jnp
import numpy as np

MAX_SEQ_LEN = 8192
D_MODEL = 1024
PAD_IDX = 0


def setup_inputs(seed: int = 0) -> dict:
    key = jax.random.key(seed)
    k1, k2 = jax.random.split(key)
    # src_seq: position indices into the embedding table, in [0, MAX_SEQ_LEN)
    src_seq = jax.random.randint(k1, (4, 8192), 0, MAX_SEQ_LEN)
    # Learned parameter: the nn.Embedding weight. NOTE: in the original torch
    # code, `from_pretrained` returns a NEW module which is discarded, so the
    # actual weights used at runtime are the default nn.Embedding init,
    # i.e. N(0, 1). We replicate that executed behavior here.
    pos_table = jax.random.normal(k2, (MAX_SEQ_LEN, D_MODEL), dtype=jnp.float32)
    return {"pos_table": pos_table, "src_seq": src_seq}


def reference(pos_table, src_seq):
    # forward: embedding lookup == row gather from the table
    return jnp.take(pos_table, src_seq, axis=0)

if __name__ == "__main__":
    import jax
    _d = setup_inputs()
    print(jax.jit(kernel)(*tuple(_d.values())))

</pallas_src>

<mosaic_0001>
#map = affine_map<(d0, d1) -> (0, 0)>
#map1 = affine_map<(d0, d1) -> (0)>
module attributes {stable_mosaic.version = 14 : i64} {
  func.func @_gather_rows(%arg0: i32, %arg1: i32, %arg2: memref<8192x1024xf32, #tpu.memory_space<hbm>>, %arg3: memref<32768xi32, #tpu.memory_space<hbm>>, %arg4: memref<32768x1024xf32, #tpu.memory_space<hbm>>, %arg5: memref<1024xi32, #tpu.memory_space<vmem>>, %arg6: memref<32x1024xf32, #tpu.memory_space<vmem>>, %arg7: memref<32x1024xf32, #tpu.memory_space<vmem>>, %arg8: memref<32x1024xf32, #tpu.memory_space<vmem>>, %arg9: memref<!tpu.dma_semaphore, #tpu.memory_space<semaphore_mem>>, %arg10: memref<!tpu.dma_semaphore, #tpu.memory_space<semaphore_mem>>, %arg11: memref<!tpu.dma_semaphore, #tpu.memory_space<semaphore_mem>>, %arg12: memref<!tpu.dma_semaphore, #tpu.memory_space<semaphore_mem>>, %arg13: memref<!tpu.dma_semaphore, #tpu.memory_space<semaphore_mem>>, %arg14: memref<!tpu.dma_semaphore, #tpu.memory_space<semaphore_mem>>) attributes {dimension_semantics = [#tpu.dimension_semantics<core_parallel>, #tpu.dimension_semantics<subcore_parallel>], iteration_bounds = array<i64: 2, 16>, scalar_prefetch = 0 : i64, scratch_operands = 10 : i64, tpu.core_type = #tpu.core_type<sc_vector_subcore>, window_params = [{transform_indices = #map}, {transform_indices = #map1}, {transform_indices = #map}]} {
    %mul3A = arith.constant 2 : i32
    %mul3A_0 = arith.muli %arg1, %mul3A : i32
    %add3A = arith.addi %mul3A_0, %arg0 : i32
    %mul3A_1 = arith.constant 1024 : i32
    %mul3A_2 = arith.muli %add3A, %mul3A_1 : i32
    "tpu.region"() ({
      %run_scoped3A = tpu.sem_alloc : memref<!tpu.dma_semaphore, #tpu.memory_space<semaphore_mem>>
      %dma_start3A_245 = tpu.memref_slice %arg3[%mul3A_2] : memref<32768xi32, #tpu.memory_space<hbm>> -> memref<1024xi32, #tpu.memory_space<hbm>>
      %dma_start3A_246 = tpu.memref_slice %arg3[%mul3A_2] : memref<32768xi32, #tpu.memory_space<hbm>> -> memref<1024xi32, #tpu.memory_space<hbm>>
      tpu.enqueue_dma source(%dma_start3A_246 : memref<1024xi32, #tpu.memory_space<hbm>>) target(%arg5 : memref<1024xi32, #tpu.memory_space<vmem>>) target_semaphore(%run_scoped3A : memref<!tpu.dma_semaphore, #tpu.memory_space<semaphore_mem>>)
      %dma_wait3A_247 = tpu.memref_slice %arg3[%mul3A_2] : memref<32768xi32, #tpu.memory_space<hbm>> -> memref<1024xi32, #tpu.memory_space<hbm>>
      %dma_wait3A_248 = tpu.memref_slice %arg3[%mul3A_2] : memref<32768xi32, #tpu.memory_space<hbm>> -> memref<1024xi32, #tpu.memory_space<hbm>>
      tpu.wait_dma2 semaphore(%run_scoped3A : memref<!tpu.dma_semaphore, #tpu.memory_space<semaphore_mem>>) src(%dma_wait3A_248 : memref<1024xi32, #tpu.memory_space<hbm>>) dst(%arg5 : memref<1024xi32, #tpu.memory_space<vmem>>)
      tpu.yield
    }) : () -> ()
    %dma_start3A = arith.constant 0 : i32
    %dma_start3A_3 = arith.constant 0 : i32
    %dma_start3A_4 = tpu.memref_slice %arg6[%dma_start3A, %dma_start3A_3] : memref<32x1024xf32, #tpu.memory_space<vmem>> -> memref<8x1024xf32, #tpu.memory_space<vmem>>
    %dma_start3A_5 = arith.constant 0 : i32
    %dma_start3A_6 = tpu.memref_slice %arg5[%dma_start3A_5] : memref<1024xi32, #tpu.memory_space<vmem>> -> memref<8xi32, #tpu.memory_space<vmem>>
    %dma_start3A_7 = arith.constant 0 : i32
    %dma_start3A_8 = arith.constant 0 : i32
    %dma_start3A_9 = tpu.memref_slice %arg2[%dma_start3A_7, %dma_start3A_8] : memref<8192x1024xf32, #tpu.memory_space<hbm>> -> memref<8192x1024xf32, #tpu.memory_space<hbm>>
    tpu.enqueue_indirect_dma source(%dma_start3A_9 : memref<8192x1024xf32, #tpu.memory_space<hbm>>) target(%dma_start3A_4 : memref<8x1024xf32, #tpu.memory_space<vmem>>) offsets(%dma_start3A_6 : memref<8xi32, #tpu.memory_space<vmem>>) semaphore(%arg9 : memref<!tpu.dma_semaphore, #tpu.memory_space<semaphore_mem>>)
    %dma_start3A_10 = arith.constant 8 : i32
    %dma_start3A_11 = arith.constant 0 : i32
    %dma_start3A_12 = tpu.memref_slice %arg6[%dma_start3A_10, %dma_start3A_11] : memref<32x1024xf32, #tpu.memory_space<vmem>> -> memref<8x1024xf32, #tpu.memory_space<vmem>>
    %dma_start3A_13 = arith.constant 8 : i32
    %dma_start3A_14 = tpu.memref_slice %arg5[%dma_start3A_13] : memref<1024xi32, #tpu.memory_space<vmem>> -> memref<8xi32, #tpu.memory_space<vmem>>
    %dma_start3A_15 = arith.constant 0 : i32
    %dma_start3A_16 = arith.constant 0 : i32
    %dma_start3A_17 = tpu.memref_slice %arg2[%dma_start3A_15, %dma_start3A_16] : memref<8192x1024xf32, #tpu.memory_space<hbm>> -> memref<8192x1024xf32, #tpu.memory_space<hbm>>
    tpu.enqueue_indirect_dma source(%dma_start3A_17 : memref<8192x1024xf32, #tpu.memory_space<hbm>>) target(%dma_start3A_12 : memref<8x1024xf32, #tpu.memory_space<vmem>>) offsets(%dma_start3A_14 : memref<8xi32, #tpu.memory_space<vmem>>) semaphore(%arg9 : memref<!tpu.dma_semaphore, #tpu.memory_space<semaphore_mem>>)
    %dma_start3A_18 = arith.constant 16 : i32
    %dma_start3A_19 = arith.constant 0 : i32
    %dma_start3A_20 = tpu.memref_slice %arg6[%dma_start3A_18, %dma_start3A_19] : memref<32x1024xf32, #tpu.memory_space<vmem>> -> memref<8x1024xf32, #tpu.memory_space<vmem>>
    %dma_start3A_21 = arith.constant 16 : i32
    %dma_start3A_22 = tpu.memref_slice %arg5[%dma_start3A_21] : memref<1024xi32, #tpu.memory_space<vmem>> -> memref<8xi32, #tpu.memory_space<vmem>>
    %dma_start3A_23 = arith.constant 0 : i32
    %dma_start3A_24 = arith.constant 0 : i32
    %dma_start3A_25 = tpu.memref_slice %arg2[%dma_start3A_23, %dma_start3A_24] : memref<8192x1024xf32, #tpu.memory_space<hbm>> -> memref<8192x1024xf32, #tpu.memory_space<hbm>>
    tpu.enqueue_indirect_dma source(%dma_start3A_25 : memref<8192x1024xf32, #tpu.memory_space<hbm>>) target(%dma_start3A_20 : memref<8x1024xf32, #tpu.memory_space<vmem>>) offsets(%dma_start3A_22 : memref<8xi32, #tpu.memory_space<vmem>>) semaphore(%arg9 : memref<!tpu.dma_semaphore, #tpu.memory_space<semaphore_mem>>)
    %dma_start3A_26 = arith.constant 24 : i32
    %dma_start3A_27 = arith.constant 0 : i32
    %dma_start3A_28 = tpu.memref_slice %arg6[%dma_start3A_26, %dma_start3A_27] : memref<32x1024xf32, #tpu.memory_space<vmem>> -> memref<8x1024xf32, #tpu.memory_space<vmem>>
    %dma_start3A_29 = arith.constant 24 : i32
    %dma_start3A_30 = tpu.memref_slice %arg5[%dma_start3A_29] : memref<1024xi32, #tpu.memory_space<vmem>> -> memref<8xi32, #tpu.memory_space<vmem>>
    %dma_start3A_31 = arith.constant 0 : i32
    %dma_start3A_32 = arith.constant 0 : i32
    %dma_start3A_33 = tpu.memref_slice %arg2[%dma_start3A_31, %dma_start3A_32] : memref<8192x1024xf32, #tpu.memory_space<hbm>> -> memref<8192x1024xf32, #tpu.memory_space<hbm>>
    tpu.enqueue_indirect_dma source(%dma_start3A_33 : memref<8192x1024xf32, #tpu.memory_space<hbm>>) target(%dma_start3A_28 : memref<8x1024xf32, #tpu.memory_space<vmem>>) offsets(%dma_start3A_30 : memref<8xi32, #tpu.memory_space<vmem>>) semaphore(%arg9 : memref<!tpu.dma_semaphore, #tpu.memory_space<semaphore_mem>>)
    %dma_start3A_34 = arith.constant 0 : i32
    %dma_start3A_35 = arith.constant 0 : i32
    %dma_start3A_36 = tpu.memref_slice %arg7[%dma_start3A_34, %dma_start3A_35] : memref<32x1024xf32, #tpu.memory_space<vmem>> -> memref<8x1024xf32, #tpu.memory_space<vmem>>
    %dma_start3A_37 = arith.constant 32 : i32
    %dma_start3A_38 = tpu.memref_slice %arg5[%dma_start3A_37] : memref<1024xi32, #tpu.memory_space<vmem>> -> memref<8xi32, #tpu.memory_space<vmem>>
    %dma_start3A_39 = arith.constant 0 : i32
    %dma_start3A_40 = arith.constant 0 : i32
    %dma_start3A_41 = tpu.memref_slice %arg2[%dma_start3A_39, %dma_start3A_40] : memref<8192x1024xf32, #tpu.memory_space<hbm>> -> memref<8192x1024xf32, #tpu.memory_space<hbm>>
    tpu.enqueue_indirect_dma source(%dma_start3A_41 : memref<8192x1024xf32, #tpu.memory_space<hbm>>) target(%dma_start3A_36 : memref<8x1024xf32, #tpu.memory_space<vmem>>) offsets(%dma_start3A_38 : memref<8xi32, #tpu.memory_space<vmem>>) semaphore(%arg10 : memref<!tpu.dma_semaphore, #tpu.memory_space<semaphore_mem>>)
    %dma_start3A_42 = arith.constant 8 : i32
    %dma_start3A_43 = arith.constant 0 : i32
    %dma_start3A_44 = tpu.memref_slice %arg7[%dma_start3A_42, %dma_start3A_43] : memref<32x1024xf32, #tpu.memory_space<vmem>> -> memref<8x1024xf32, #tpu.memory_space<vmem>>
    %dma_start3A_45 = arith.constant 40 : i32
    %dma_start3A_46 = tpu.memref_slice %arg5[%dma_start3A_45] : memref<1024xi32, #tpu.memory_space<vmem>> -> memref<8xi32, #tpu.memory_space<vmem>>
    %dma_start3A_47 = arith.constant 0 : i32
    %dma_start3A_48 = arith.constant 0 : i32
    %dma_start3A_49 = tpu.memref_slice %arg2[%dma_start3A_47, %dma_start3A_48] : memref<8192x1024xf32, #tpu.memory_space<hbm>> -> memref<8192x1024xf32, #tpu.memory_space<hbm>>
    tpu.enqueue_indirect_dma source(%dma_start3A_49 : memref<8192x1024xf32, #tpu.memory_space<hbm>>) target(%dma_start3A_44 : memref<8x1024xf32, #tpu.memory_space<vmem>>) offsets(%dma_start3A_46 : memref<8xi32, #tpu.memory_space<vmem>>) semaphore(%arg10 : memref<!tpu.dma_semaphore, #tpu.memory_space<semaphore_mem>>)
    %dma_start3A_50 = arith.constant 16 : i32
    %dma_start3A_51 = arith.constant 0 : i32
    %dma_start3A_52 = tpu.memref_slice %arg7[%dma_start3A_50, %dma_start3A_51] : memref<32x1024xf32, #tpu.memory_space<vmem>> -> memref<8x1024xf32, #tpu.memory_space<vmem>>
    %dma_start3A_53 = arith.constant 48 : i32
    %dma_start3A_54 = tpu.memref_slice %arg5[%dma_start3A_53] : memref<1024xi32, #tpu.memory_space<vmem>> -> memref<8xi32, #tpu.memory_space<vmem>>
    %dma_start3A_55 = arith.constant 0 : i32
    %dma_start3A_56 = arith.constant 0 : i32
    %dma_start3A_57 = tpu.memref_slice %arg2[%dma_start3A_55, %dma_start3A_56] : memref<8192x1024xf32, #tpu.memory_space<hbm>> -> memref<8192x1024xf32, #tpu.memory_space<hbm>>
    tpu.enqueue_indirect_dma source(%dma_start3A_57 : memref<8192x1024xf32, #tpu.memory_space<hbm>>) target(%dma_start3A_52 : memref<8x1024xf32, #tpu.memory_space<vmem>>) offsets(%dma_start3A_54 : memref<8xi32, #tpu.memory_space<vmem>>) semaphore(%arg10 : memref<!tpu.dma_semaphore, #tpu.memory_space<semaphore_mem>>)
    %dma_start3A_58 = arith.constant 24 : i32
    %dma_start3A_59 = arith.constant 0 : i32
    %dma_start3A_60 = tpu.memref_slice %arg7[%dma_start3A_58, %dma_start3A_59] : memref<32x1024xf32, #tpu.memory_space<vmem>> -> memref<8x1024xf32, #tpu.memory_space<vmem>>
    %dma_start3A_61 = arith.constant 56 : i32
    %dma_start3A_62 = tpu.memref_slice %arg5[%dma_start3A_61] : memref<1024xi32, #tpu.memory_space<vmem>> -> memref<8xi32, #tpu.memory_space<vmem>>
    %dma_start3A_63 = arith.constant 0 : i32
    %dma_start3A_64 = arith.constant 0 : i32
    %dma_start3A_65 = tpu.memref_slice %arg2[%dma_start3A_63, %dma_start3A_64] : memref<8192x1024xf32, #tpu.memory_space<hbm>> -> memref<8192x1024xf32, #tpu.memory_space<hbm>>
    tpu.enqueue_indirect_dma source(%dma_start3A_65 : memref<8192x1024xf32, #tpu.memory_space<hbm>>) target(%dma_start3A_60 : memref<8x1024xf32, #tpu.memory_space<vmem>>) offsets(%dma_start3A_62 : memref<8xi32, #tpu.memory_space<vmem>>) semaphore(%arg10 : memref<!tpu.dma_semaphore, #tpu.memory_space<semaphore_mem>>)
    %dma_start3A_66 = arith.constant 0 : i32
    %dma_start3A_67 = arith.constant 0 : i32
    %dma_start3A_68 = tpu.memref_slice %arg8[%dma_start3A_66, %dma_start3A_67] : memref<32x1024xf32, #tpu.memory_space<vmem>> -> memref<8x1024xf32, #tpu.memory_space<vmem>>
    %dma_start3A_69 = arith.constant 64 : i32
    %dma_start3A_70 = tpu.memref_slice %arg5[%dma_start3A_69] : memref<1024xi32, #tpu.memory_space<vmem>> -> memref<8xi32, #tpu.memory_space<vmem>>
    %dma_start3A_71 = arith.constant 0 : i32
    %dma_start3A_72 = arith.constant 0 : i32
    %dma_start3A_73 = tpu.memref_slice %arg2[%dma_start3A_71, %dma_start3A_72] : memref<8192x1024xf32, #tpu.memory_space<hbm>> -> memref<8192x1024xf32, #tpu.memory_space<hbm>>
    tpu.enqueue_indirect_dma source(%dma_start3A_73 : memref<8192x1024xf32, #tpu.memory_space<hbm>>) target(%dma_start3A_68 : memref<8x1024xf32, #tpu.memory_space<vmem>>) offsets(%dma_start3A_70 : memref<8xi32, #tpu.memory_space<vmem>>) semaphore(%arg11 : memref<!tpu.dma_semaphore, #tpu.memory_space<semaphore_mem>>)
    %dma_start3A_74 = arith.constant 8 : i32
    %dma_start3A_75 = arith.constant 0 : i32
    %dma_start3A_76 = tpu.memref_slice %arg8[%dma_start3A_74, %dma_start3A_75] : memref<32x1024xf32, #tpu.memory_space<vmem>> -> memref<8x1024xf32, #tpu.memory_space<vmem>>
    %dma_start3A_77 = arith.constant 72 : i32
    %dma_start3A_78 = tpu.memref_slice %arg5[%dma_start3A_77] : memref<1024xi32, #tpu.memory_space<vmem>> -> memref<8xi32, #tpu.memory_space<vmem>>
    %dma_start3A_79 = arith.constant 0 : i32
    %dma_start3A_80 = arith.constant 0 : i32
    %dma_start3A_81 = tpu.memref_slice %arg2[%dma_start3A_79, %dma_start3A_80] : memref<8192x1024xf32, #tpu.memory_space<hbm>> -> memref<8192x1024xf32, #tpu.memory_space<hbm>>
    tpu.enqueue_indirect_dma source(%dma_start3A_81 : memref<8192x1024xf32, #tpu.memory_space<hbm>>) target(%dma_start3A_76 : memref<8x1024xf32, #tpu.memory_space<vmem>>) offsets(%dma_start3A_78 : memref<8xi32, #tpu.memory_space<vmem>>) semaphore(%arg11 : memref<!tpu.dma_semaphore, #tpu.memory_space<semaphore_mem>>)
    %dma_start3A_82 = arith.constant 16 : i32
    %dma_start3A_83 = arith.constant 0 : i32
    %dma_start3A_84 = tpu.memref_slice %arg8[%dma_start3A_82, %dma_start3A_83] : memref<32x1024xf32, #tpu.memory_space<vmem>> -> memref<8x1024xf32, #tpu.memory_space<vmem>>
    %dma_start3A_85 = arith.constant 80 : i32
    %dma_start3A_86 = tpu.memref_slice %arg5[%dma_start3A_85] : memref<1024xi32, #tpu.memory_space<vmem>> -> memref<8xi32, #tpu.memory_space<vmem>>
    %dma_start3A_87 = arith.constant 0 : i32
    %dma_start3A_88 = arith.constant 0 : i32
    %dma_start3A_89 = tpu.memref_slice %arg2[%dma_start3A_87, %dma_start3A_88] : memref<8192x1024xf32, #tpu.memory_space<hbm>> -> memref<8192x1024xf32, #tpu.memory_space<hbm>>
    tpu.enqueue_indirect_dma source(%dma_start3A_89 : memref<8192x1024xf32, #tpu.memory_space<hbm>>) target(%dma_start3A_84 : memref<8x1024xf32, #tpu.memory_space<vmem>>) offsets(%dma_start3A_86 : memref<8xi32, #tpu.memory_space<vmem>>) semaphore(%arg11 : memref<!tpu.dma_semaphore, #tpu.memory_space<semaphore_mem>>)
    %dma_start3A_90 = arith.constant 24 : i32
    %dma_start3A_91 = arith.constant 0 : i32
    %dma_start3A_92 = tpu.memref_slice %arg8[%dma_start3A_90, %dma_start3A_91] : memref<32x1024xf32, #tpu.memory_space<vmem>> -> memref<8x1024xf32, #tpu.memory_space<vmem>>
    %dma_start3A_93 = arith.constant 88 : i32
    %dma_start3A_94 = tpu.memref_slice %arg5[%dma_start3A_93] : memref<1024xi32, #tpu.memory_space<vmem>> -> memref<8xi32, #tpu.memory_space<vmem>>
    %dma_start3A_95 = arith.constant 0 : i32
    %dma_start3A_96 = arith.constant 0 : i32
    %dma_start3A_97 = tpu.memref_slice %arg2[%dma_start3A_95, %dma_start3A_96] : memref<8192x1024xf32, #tpu.memory_space<hbm>> -> memref<8192x1024xf32, #tpu.memory_space<hbm>>
    tpu.enqueue_indirect_dma source(%dma_start3A_97 : memref<8192x1024xf32, #tpu.memory_space<hbm>>) target(%dma_start3A_92 : memref<8x1024xf32, #tpu.memory_space<vmem>>) offsets(%dma_start3A_94 : memref<8xi32, #tpu.memory_space<vmem>>) semaphore(%arg11 : memref<!tpu.dma_semaphore, #tpu.memory_space<semaphore_mem>>)
    %scan3A = arith.constant 0 : i32
    %scan3A_98 = arith.constant 9 : i32
    %scan3A_99 = arith.addi %scan3A, %scan3A_98 : i32
    %scan3A_100 = arith.constant 1 : i32
    scf.for %scan3A_245 = %scan3A to %scan3A_99 step %scan3A_100  : i32 {
      %mul3A_246 = arith.constant 3 : i32
      %mul3A_247 = arith.muli %scan3A_245, %mul3A_246 : i32
      %dma_wait3A_248 = arith.constant 0 : i32
      %dma_wait3A_249 = arith.constant 0 : i32
      %dma_wait3A_250 = tpu.memref_slice %arg2[%dma_wait3A_248, %dma_wait3A_249] : memref<8192x1024xf32, #tpu.memory_space<hbm>> -> memref<32x1024xf32, #tpu.memory_space<hbm>>
      %dma_wait3A_251 = arith.constant 0 : i32
      %dma_wait3A_252 = arith.constant 0 : i32
      %dma_wait3A_253 = tpu.memref_slice %arg2[%dma_wait3A_251, %dma_wait3A_252] : memref<8192x1024xf32, #tpu.memory_space<hbm>> -> memref<32x1024xf32, #tpu.memory_space<hbm>>
      tpu.wait_dma2 semaphore(%arg9 : memref<!tpu.dma_semaphore, #tpu.memory_space<semaphore_mem>>) src(%dma_wait3A_253 : memref<32x1024xf32, #tpu.memory_space<hbm>>) dst(%arg6 : memref<32x1024xf32, #tpu.memory_space<vmem>>)
      %add3A_254 = arith.constant 0 : i32
      %add3A_255 = arith.addi %mul3A_247, %add3A_254 : i32
      %mul3A_256 = arith.constant 32 : i32
      %mul3A_257 = arith.muli %add3A_255, %mul3A_256 : i32
      %add3A_258 = arith.addi %mul3A_2, %mul3A_257 : i32
      %dma_start3A_259 = arith.constant 0 : i32
      %dma_start3A_260 = tpu.memref_slice %arg4[%add3A_258, %dma_start3A_259] : memref<32768x1024xf32, #tpu.memory_space<hbm>> -> memref<32x1024xf32, #tpu.memory_space<hbm>>
      %dma_start3A_261 = arith.constant 0 : i32
      %dma_start3A_262 = tpu.memref_slice %arg4[%add3A_258, %dma_start3A_261] : memref<32768x1024xf32, #tpu.memory_space<hbm>> -> memref<32x1024xf32, #tpu.memory_space<hbm>>
      tpu.enqueue_dma source(%arg6 : memref<32x1024xf32, #tpu.memory_space<vmem>>) target(%dma_start3A_262 : memref<32x1024xf32, #tpu.memory_space<hbm>>) target_semaphore(%arg12 : memref<!tpu.dma_semaphore, #tpu.memory_space<semaphore_mem>>)
      %dma_wait3A_263 = arith.constant 0 : i32
      %dma_wait3A_264 = arith.constant 0 : i32
      %dma_wait3A_265 = tpu.memref_slice %arg2[%dma_wait3A_263, %dma_wait3A_264] : memref<8192x1024xf32, #tpu.memory_space<hbm>> -> memref<32x1024xf32, #tpu.memory_space<hbm>>
      %dma_wait3A_266 = arith.constant 0 : i32
      %dma_wait3A_267 = arith.constant 0 : i32
      %dma_wait3A_268 = tpu.memref_slice %arg2[%dma_wait3A_266, %dma_wait3A_267] : memref<8192x1024xf32, #tpu.memory_space<hbm>> -> memref<32x1024xf32, #tpu.memory_space<hbm>>
      tpu.wait_dma2 semaphore(%arg10 : memref<!tpu.dma_semaphore, #tpu.memory_space<semaphore_mem>>) src(%dma_wait3A_268 : memref<32x1024xf32, #tpu.memory_space<hbm>>) dst(%arg7 : memref<32x1024xf32, #tpu.memory_space<vmem>>)
      %add3A_269 = arith.constant 1 : i32
      %add3A_270 = arith.addi %mul3A_247, %add3A_269 : i32
      %mul3A_271 = arith.constant 32 : i32
      %mul3A_272 = arith.muli %add3A_270, %mul3A_271 : i32
      %add3A_273 = arith.addi %mul3A_2, %mul3A_272 : i32
      %dma_start3A_274 = arith.constant 0 : i32
      %dma_start3A_275 = tpu.memref_slice %arg4[%add3A_273, %dma_start3A_274] : memref<32768x1024xf32, #tpu.memory_space<hbm>> -> memref<32x1024xf32, #tpu.memory_space<hbm>>
      %dma_start3A_276 = arith.constant 0 : i32
      %dma_start3A_277 = tpu.memref_slice %arg4[%add3A_273, %dma_start3A_276] : memref<32768x1024xf32, #tpu.memory_space<hbm>> -> memref<32x1024xf32, #tpu.memory_space<hbm>>
      tpu.enqueue_dma source(%arg7 : memref<32x1024xf32, #tpu.memory_space<vmem>>) target(%dma_start3A_277 : memref<32x1024xf32, #tpu.memory_space<hbm>>) target_semaphore(%arg13 : memref<!tpu.dma_semaphore, #tpu.memory_space<semaphore_mem>>)
      %dma_wait3A_278 = arith.constant 0 : i32
      %dma_wait3A_279 = arith.constant 0 : i32
      %dma_wait3A_280 = tpu.memref_slice %arg2[%dma_wait3A_278, %dma_wait3A_279] : memref<8192x1024xf32, #tpu.memory_space<hbm>> -> memref<32x1024xf32, #tpu.memory_space<hbm>>
      %dma_wait3A_281 = arith.constant 0 : i32
      %dma_wait3A_282 = arith.constant 0 : i32
      %dma_wait3A_283 = tpu.memref_slice %arg2[%dma_wait3A_281, %dma_wait3A_282] : memref<8192x1024xf32, #tpu.memory_space<hbm>> -> memref<32x1024xf32, #tpu.memory_space<hbm>>
      tpu.wait_dma2 semaphore(%arg11 : memref<!tpu.dma_semaphore, #tpu.memory_space<semaphore_mem>>) src(%dma_wait3A_283 : memref<32x1024xf32, #tpu.memory_space<hbm>>) dst(%arg8 : memref<32x1024xf32, #tpu.memory_space<vmem>>)
      %add3A_284 = arith.constant 2 : i32
      %add3A_285 = arith.addi %mul3A_247, %add3A_284 : i32
      %mul3A_286 = arith.constant 32 : i32
      %mul3A_287 = arith.muli %add3A_285, %mul3A_286 : i32
      %add3A_288 = arith.addi %mul3A_2, %mul3A_287 : i32
      %dma_start3A_289 = arith.constant 0 : i32
      %dma_start3A_290 = tpu.memref_slice %arg4[%add3A_288, %dma_start3A_289] : memref<32768x1024xf32, #tpu.memory_space<hbm>> -> memref<32x1024xf32, #tpu.memory_space<hbm>>
      %dma_start3A_291 = arith.constant 0 : i32
      %dma_start3A_292 = tpu.memref_slice %arg4[%add3A_288, %dma_start3A_291] : memref<32768x1024xf32, #tpu.memory_space<hbm>> -> memref<32x1024xf32, #tpu.memory_space<hbm>>
      tpu.enqueue_dma source(%arg8 : memref<32x1024xf32, #tpu.memory_space<vmem>>) target(%dma_start3A_292 : memref<32x1024xf32, #tpu.memory_space<hbm>>) target_semaphore(%arg14 : memref<!tpu.dma_semaphore, #tpu.memory_space<semaphore_mem>>)
      %dma_wait3A_293 = arith.constant 0 : i32
      %dma_wait3A_294 = tpu.memref_slice %arg4[%mul3A_2, %dma_wait3A_293] : memref<32768x1024xf32, #tpu.memory_space<hbm>> -> memref<32x1024xf32, #tpu.memory_space<hbm>>
      %dma_wait3A_295 = arith.constant 0 : i32
      %dma_wait3A_296 = tpu.memref_slice %arg4[%mul3A_2, %dma_wait3A_295] : memref<32768x1024xf32, #tpu.memory_space<hbm>> -> memref<32x1024xf32, #tpu.memory_space<hbm>>
      tpu.wait_dma2 semaphore(%arg12 : memref<!tpu.dma_semaphore, #tpu.memory_space<semaphore_mem>>) src(%arg6 : memref<32x1024xf32, #tpu.memory_space<vmem>>) dst(%dma_wait3A_296 : memref<32x1024xf32, #tpu.memory_space<hbm>>)
      %add3A_297 = arith.constant 3 : i32
      %add3A_298 = arith.addi %mul3A_247, %add3A_297 : i32
      %add3A_299 = arith.constant 0 : i32
      %add3A_300 = arith.addi %add3A_298, %add3A_299 : i32
      %mul3A_301 = arith.constant 32 : i32
      %mul3A_302 = arith.muli %add3A_300, %mul3A_301 : i32
      %add3A_303 = arith.constant 0 : i32
      %add3A_304 = arith.addi %mul3A_302, %add3A_303 : i32
      %dma_start3A_305 = arith.constant 0 : i32
      %dma_start3A_306 = arith.constant 0 : i32
      %dma_start3A_307 = tpu.memref_slice %arg6[%dma_start3A_305, %dma_start3A_306] : memref<32x1024xf32, #tpu.memory_space<vmem>> -> memref<8x1024xf32, #tpu.memory_space<vmem>>
      %dma_start3A_308 = tpu.memref_slice %arg5[%add3A_304] : memref<1024xi32, #tpu.memory_space<vmem>> -> memref<8xi32, #tpu.memory_space<vmem>>
      %dma_start3A_309 = arith.constant 0 : i32
      %dma_start3A_310 = arith.constant 0 : i32
      %dma_start3A_311 = tpu.memref_slice %arg2[%dma_start3A_309, %dma_start3A_310] : memref<8192x1024xf32, #tpu.memory_space<hbm>> -> memref<8192x1024xf32, #tpu.memory_space<hbm>>
      tpu.enqueue_indirect_dma source(%dma_start3A_311 : memref<8192x1024xf32, #tpu.memory_space<hbm>>) target(%dma_start3A_307 : memref<8x1024xf32, #tpu.memory_space<vmem>>) offsets(%dma_start3A_308 : memref<8xi32, #tpu.memory_space<vmem>>) semaphore(%arg9 : memref<!tpu.dma_semaphore, #tpu.memory_space<semaphore_mem>>)
      %mul3A_312 = arith.constant 32 : i32
      %mul3A_313 = arith.muli %add3A_300, %mul3A_312 : i32
      %add3A_314 = arith.constant 8 : i32
      %add3A_315 = arith.addi %mul3A_313, %add3A_314 : i32
      %dma_start3A_316 = arith.constant 8 : i32
      %dma_start3A_317 = arith.constant 0 : i32
      %dma_start3A_318 = tpu.memref_slice %arg6[%dma_start3A_316, %dma_start3A_317] : memref<32x1024xf32, #tpu.memory_space<vmem>> -> memref<8x1024xf32, #tpu.memory_space<vmem>>
      %dma_start3A_319 = tpu.memref_slice %arg5[%add3A_315] : memref<1024xi32, #tpu.memory_space<vmem>> -> memref<8xi32, #tpu.memory_space<vmem>>
      %dma_start3A_320 = arith.constant 0 : i32
      %dma_start3A_321 = arith.constant 0 : i32
      %dma_start3A_322 = tpu.memref_slice %arg2[%dma_start3A_320, %dma_start3A_321] : memref<8192x1024xf32, #tpu.memory_space<hbm>> -> memref<8192x1024xf32, #tpu.memory_space<hbm>>
      tpu.enqueue_indirect_dma source(%dma_start3A_322 : memref<8192x1024xf32, #tpu.memory_space<hbm>>) target(%dma_start3A_318 : memref<8x1024xf32, #tpu.memory_space<vmem>>) offsets(%dma_start3A_319 : memref<8xi32, #tpu.memory_space<vmem>>) semaphore(%arg9 : memref<!tpu.dma_semaphore, #tpu.memory_space<semaphore_mem>>)
      %mul3A_323 = arith.constant 32 : i32
      %mul3A_324 = arith.muli %add3A_300, %mul3A_323 : i32
      %add3A_325 = arith.constant 16 : i32
      %add3A_326 = arith.addi %mul3A_324, %add3A_325 : i32
      %dma_start3A_327 = arith.constant 16 : i32
      %dma_start3A_328 = arith.constant 0 : i32
      %dma_start3A_329 = tpu.memref_slice %arg6[%dma_start3A_327, %dma_start3A_328] : memref<32x1024xf32, #tpu.memory_space<vmem>> -> memref<8x1024xf32, #tpu.memory_space<vmem>>
      %dma_start3A_330 = tpu.memref_slice %arg5[%add3A_326] : memref<1024xi32, #tpu.memory_space<vmem>> -> memref<8xi32, #tpu.memory_space<vmem>>
      %dma_start3A_331 = arith.constant 0 : i32
      %dma_start3A_332 = arith.constant 0 : i32
      %dma_start3A_333 = tpu.memref_slice %arg2[%dma_start3A_331, %dma_start3A_332] : memref<8192x1024xf32, #tpu.memory_space<hbm>> -> memref<8192x1024xf32, #tpu.memory_space<hbm>>
      tpu.enqueue_indirect_dma source(%dma_start3A_333 : memref<8192x1024xf32, #tpu.memory_space<hbm>>) target(%dma_start3A_329 : memref<8x1024xf32, #tpu.memory_space<vmem>>) offsets(%dma_start3A_330 : memref<8xi32, #tpu.memory_space<vmem>>) semaphore(%arg9 : memref<!tpu.dma_semaphore, #tpu.memory_space<semaphore_mem>>)
      %mul3A_334 = arith.constant 32 : i32
      %mul3A_335 = arith.muli %add3A_300, %mul3A_334 : i32
      %add3A_336 = arith.constant 24 : i32
      %add3A_337 = arith.addi %mul3A_335, %add3A_336 : i32
      %dma_start3A_338 = arith.constant 24 : i32
      %dma_start3A_339 = arith.constant 0 : i32
      %dma_start3A_340 = tpu.memref_slice %arg6[%dma_start3A_338, %dma_start3A_339] : memref<32x1024xf32, #tpu.memory_space<vmem>> -> memref<8x1024xf32, #tpu.memory_space<vmem>>
      %dma_start3A_341 = tpu.memref_slice %arg5[%add3A_337] : memref<1024xi32, #tpu.memory_space<vmem>> -> memref<8xi32, #tpu.memory_space<vmem>>
      %dma_start3A_342 = arith.constant 0 : i32
      %dma_start3A_343 = arith.constant 0 : i32
      %dma_start3A_344 = tpu.memref_slice %arg2[%dma_start3A_342, %dma_start3A_343] : memref<8192x1024xf32, #tpu.memory_space<hbm>> -> memref<8192x1024xf32, #tpu.memory_space<hbm>>
      tpu.enqueue_indirect_dma source(%dma_start3A_344 : memref<8192x1024xf32, #tpu.memory_space<hbm>>) target(%dma_start3A_340 : memref<8x1024xf32, #tpu.memory_space<vmem>>) offsets(%dma_start3A_341 : memref<8xi32, #tpu.memory_space<vmem>>) semaphore(%arg9 : memref<!tpu.dma_semaphore, #tpu.memory_space<semaphore_mem>>)
      %dma_wait3A_345 = arith.constant 0 : i32
      %dma_wait3A_346 = tpu.memref_slice %arg4[%mul3A_2, %dma_wait3A_345] : memref<32768x1024xf32, #tpu.memory_space<hbm>> -> memref<32x1024xf32, #tpu.memory_space<hbm>>
      %dma_wait3A_347 = arith.constant 0 : i32
      %dma_wait3A_348 = tpu.memref_slice %arg4[%mul3A_2, %dma_wait3A_347] : memref<32768x1024xf32, #tpu.memory_space<hbm>> -> memref<32x1024xf32, #tpu.memory_space<hbm>>
      tpu.wait_dma2 semaphore(%arg13 : memref<!tpu.dma_semaphore, #tpu.memory_space<semaphore_mem>>) src(%arg7 : memref<32x1024xf32, #tpu.memory_space<vmem>>) dst(%dma_wait3A_348 : memref<32x1024xf32, #tpu.memory_space<hbm>>)
      %add3A_349 = arith.constant 3 : i32
      %add3A_350 = arith.addi %mul3A_247, %add3A_349 : i32
      %add3A_351 = arith.constant 1 : i32
      %add3A_352 = arith.addi %add3A_350, %add3A_351 : i32
      %mul3A_353 = arith.constant 32 : i32
      %mul3A_354 = arith.muli %add3A_352, %mul3A_353 : i32
      %add3A_355 = arith.constant 0 : i32
      %add3A_356 = arith.addi %mul3A_354, %add3A_355 : i32
      %dma_start3A_357 = arith.constant 0 : i32
      %dma_start3A_358 = arith.constant 0 : i32
      %dma_start3A_359 = tpu.memref_slice %arg7[%dma_start3A_357, %dma_start3A_358] : memref<32x1024xf32, #tpu.memory_space<vmem>> -> memref<8x1024xf32, #tpu.memory_space<vmem>>
      %dma_start3A_360 = tpu.memref_slice %arg5[%add3A_356] : memref<1024xi32, #tpu.memory_space<vmem>> -> memref<8xi32, #tpu.memory_space<vmem>>
      %dma_start3A_361 = arith.constant 0 : i32
      %dma_start3A_362 = arith.constant 0 : i32
      %dma_start3A_363 = tpu.memref_slice %arg2[%dma_start3A_361, %dma_start3A_362] : memref<8192x1024xf32, #tpu.memory_space<hbm>> -> memref<8192x1024xf32, #tpu.memory_space<hbm>>
      tpu.enqueue_indirect_dma source(%dma_start3A_363 : memref<8192x1024xf32, #tpu.memory_space<hbm>>) target(%dma_start3A_359 : memref<8x1024xf32, #tpu.memory_space<vmem>>) offsets(%dma_start3A_360 : memref<8xi32, #tpu.memory_space<vmem>>) semaphore(%arg10 : memref<!tpu.dma_semaphore, #tpu.memory_space<semaphore_mem>>)
      %mul3A_364 = arith.constant 32 : i32
      %mul3A_365 = arith.muli %add3A_352, %mul3A_364 : i32
      %add3A_366 = arith.constant 8 : i32
      %add3A_367 = arith.addi %mul3A_365, %add3A_366 : i32
      %dma_start3A_368 = arith.constant 8 : i32
      %dma_start3A_369 = arith.constant 0 : i32
      %dma_start3A_370 = tpu.memref_slice %arg7[%dma_start3A_368, %dma_start3A_369] : memref<32x1024xf32, #tpu.memory_space<vmem>> -> memref<8x1024xf32, #tpu.memory_space<vmem>>
      %dma_start3A_371 = tpu.memref_slice %arg5[%add3A_367] : memref<1024xi32, #tpu.memory_space<vmem>> -> memref<8xi32, #tpu.memory_space<vmem>>
      %dma_start3A_372 = arith.constant 0 : i32
      %dma_start3A_373 = arith.constant 0 : i32
      %dma_start3A_374 = tpu.memref_slice %arg2[%dma_start3A_372, %dma_start3A_373] : memref<8192x1024xf32, #tpu.memory_space<hbm>> -> memref<8192x1024xf32, #tpu.memory_space<hbm>>
      tpu.enqueue_indirect_dma source(%dma_start3A_374 : memref<8192x1024xf32, #tpu.memory_space<hbm>>) target(%dma_start3A_370 : memref<8x1024xf32, #tpu.memory_space<vmem>>) offsets(%dma_start3A_371 : memref<8xi32, #tpu.memory_space<vmem>>) semaphore(%arg10 : memref<!tpu.dma_semaphore, #tpu.memory_space<semaphore_mem>>)
      %mul3A_375 = arith.constant 32 : i32
      %mul3A_376 = arith.muli %add3A_352, %mul3A_375 : i32
      %add3A_377 = arith.constant 16 : i32
      %add3A_378 = arith.addi %mul3A_376, %add3A_377 : i32
      %dma_start3A_379 = arith.constant 16 : i32
      %dma_start3A_380 = arith.constant 0 : i32
      %dma_start3A_381 = tpu.memref_slice %arg7[%dma_start3A_379, %dma_start3A_380] : memref<32x1024xf32, #tpu.memory_space<vmem>> -> memref<8x1024xf32, #tpu.memory_space<vmem>>
      %dma_start3A_382 = tpu.memref_slice %arg5[%add3A_378] : memref<1024xi32, #tpu.memory_space<vmem>> -> memref<8xi32, #tpu.memory_space<vmem>>
      %dma_start3A_383 = arith.constant 0 : i32
      %dma_start3A_384 = arith.constant 0 : i32
      %dma_start3A_385 = tpu.memref_slice %arg2[%dma_start3A_383, %dma_start3A_384] : memref<8192x1024xf32, #tpu.memory_space<hbm>> -> memref<8192x1024xf32, #tpu.memory_space<hbm>>
      tpu.enqueue_indirect_dma source(%dma_start3A_385 : memref<8192x1024xf32, #tpu.memory_space<hbm>>) target(%dma_start3A_381 : memref<8x1024xf32, #tpu.memory_space<vmem>>) offsets(%dma_start3A_382 : memref<8xi32, #tpu.memory_space<vmem>>) semaphore(%arg10 : memref<!tpu.dma_semaphore, #tpu.memory_space<semaphore_mem>>)
      %mul3A_386 = arith.constant 32 : i32
      %mul3A_387 = arith.muli %add3A_352, %mul3A_386 : i32
      %add3A_388 = arith.constant 24 : i32
      %add3A_389 = arith.addi %mul3A_387, %add3A_388 : i32
      %dma_start3A_390 = arith.constant 24 : i32
      %dma_start3A_391 = arith.constant 0 : i32
      %dma_start3A_392 = tpu.memref_slice %arg7[%dma_start3A_390, %dma_start3A_391] : memref<32x1024xf32, #tpu.memory_space<vmem>> -> memref<8x1024xf32, #tpu.memory_space<vmem>>
      %dma_start3A_393 = tpu.memref_slice %arg5[%add3A_389] : memref<1024xi32, #tpu.memory_space<vmem>> -> memref<8xi32, #tpu.memory_space<vmem>>
      %dma_start3A_394 = arith.constant 0 : i32
      %dma_start3A_395 = arith.constant 0 : i32
      %dma_start3A_396 = tpu.memref_slice %arg2[%dma_start3A_394, %dma_start3A_395] : memref<8192x1024xf32, #tpu.memory_space<hbm>> -> memref<8192x1024xf32, #tpu.memory_space<hbm>>
      tpu.enqueue_indirect_dma source(%dma_start3A_396 : memref<8192x1024xf32, #tpu.memory_space<hbm>>) target(%dma_start3A_392 : memref<8x1024xf32, #tpu.memory_space<vmem>>) offsets(%dma_start3A_393 : memref<8xi32, #tpu.memory_space<vmem>>) semaphore(%arg10 : memref<!tpu.dma_semaphore, #tpu.memory_space<semaphore_mem>>)
      %dma_wait3A_397 = arith.constant 0 : i32
      %dma_wait3A_398 = tpu.memref_slice %arg4[%mul3A_2, %dma_wait3A_397] : memref<32768x1024xf32, #tpu.memory_space<hbm>> -> memref<32x1024xf32, #tpu.memory_space<hbm>>
      %dma_wait3A_399 = arith.constant 0 : i32
      %dma_wait3A_400 = tpu.memref_slice %arg4[%mul3A_2, %dma_wait3A_399] : memref<32768x1024xf32, #tpu.memory_space<hbm>> -> memref<32x1024xf32, #tpu.memory_space<hbm>>
      tpu.wait_dma2 semaphore(%arg14 : memref<!tpu.dma_semaphore, #tpu.memory_space<semaphore_mem>>) src(%arg8 : memref<32x1024xf32, #tpu.memory_space<vmem>>) dst(%dma_wait3A_400 : memref<32x1024xf32, #tpu.memory_space<hbm>>)
      %add3A_401 = arith.constant 3 : i32
      %add3A_402 = arith.addi %mul3A_247, %add3A_401 : i32
      %add3A_403 = arith.constant 2 : i32
      %add3A_404 = arith.addi %add3A_402, %add3A_403 : i32
      %mul3A_405 = arith.constant 32 : i32
      %mul3A_406 = arith.muli %add3A_404, %mul3A_405 : i32
      %add3A_407 = arith.constant 0 : i32
      %add3A_408 = arith.addi %mul3A_406, %add3A_407 : i32
      %dma_start3A_409 = arith.constant 0 : i32
      %dma_start3A_410 = arith.constant 0 : i32
      %dma_start3A_411 = tpu.memref_slice %arg8[%dma_start3A_409, %dma_start3A_410] : memref<32x1024xf32, #tpu.memory_space<vmem>> -> memref<8x1024xf32, #tpu.memory_space<vmem>>
      %dma_start3A_412 = tpu.memref_slice %arg5[%add3A_408] : memref<1024xi32, #tpu.memory_space<vmem>> -> memref<8xi32, #tpu.memory_space<vmem>>
      %dma_start3A_413 = arith.constant 0 : i32
      %dma_start3A_414 = arith.constant 0 : i32
      %dma_start3A_415 = tpu.memref_slice %arg2[%dma_start3A_413, %dma_start3A_414] : memref<8192x1024xf32, #tpu.memory_space<hbm>> -> memref<8192x1024xf32, #tpu.memory_space<hbm>>
      tpu.enqueue_indirect_dma source(%dma_start3A_415 : memref<8192x1024xf32, #tpu.memory_space<hbm>>) target(%dma_start3A_411 : memref<8x1024xf32, #tpu.memory_space<vmem>>) offsets(%dma_start3A_412 : memref<8xi32, #tpu.memory_space<vmem>>) semaphore(%arg11 : memref<!tpu.dma_semaphore, #tpu.memory_space<semaphore_mem>>)
      %mul3A_416 = arith.constant 32 : i32
      %mul3A_417 = arith.muli %add3A_404, %mul3A_416 : i32
      %add3A_418 = arith.constant 8 : i32
      %add3A_419 = arith.addi %mul3A_417, %add3A_418 : i32
      %dma_start3A_420 = arith.constant 8 : i32
      %dma_start3A_421 = arith.constant 0 : i32
      %dma_start3A_422 = tpu.memref_slice %arg8[%dma_start3A_420, %dma_start3A_421] : memref<32x1024xf32, #tpu.memory_space<vmem>> -> memref<8x1024xf32, #tpu.memory_space<vmem>>
      %dma_start3A_423 = tpu.memref_slice %arg5[%add3A_419] : memref<1024xi32, #tpu.memory_space<vmem>> -> memref<8xi32, #tpu.memory_space<vmem>>
      %dma_start3A_424 = arith.constant 0 : i32
      %dma_start3A_425 = arith.constant 0 : i32
      %dma_start3A_426 = tpu.memref_slice %arg2[%dma_start3A_424, %dma_start3A_425] : memref<8192x1024xf32, #tpu.memory_space<hbm>> -> memref<8192x1024xf32, #tpu.memory_space<hbm>>
      tpu.enqueue_indirect_dma source(%dma_start3A_426 : memref<8192x1024xf32, #tpu.memory_space<hbm>>) target(%dma_start3A_422 : memref<8x1024xf32, #tpu.memory_space<vmem>>) offsets(%dma_start3A_423 : memref<8xi32, #tpu.memory_space<vmem>>) semaphore(%arg11 : memref<!tpu.dma_semaphore, #tpu.memory_space<semaphore_mem>>)
      %mul3A_427 = arith.constant 32 : i32
      %mul3A_428 = arith.muli %add3A_404, %mul3A_427 : i32
      %add3A_429 = arith.constant 16 : i32
      %add3A_430 = arith.addi %mul3A_428, %add3A_429 : i32
      %dma_start3A_431 = arith.constant 16 : i32
      %dma_start3A_432 = arith.constant 0 : i32
      %dma_start3A_433 = tpu.memref_slice %arg8[%dma_start3A_431, %dma_start3A_432] : memref<32x1024xf32, #tpu.memory_space<vmem>> -> memref<8x1024xf32, #tpu.memory_space<vmem>>
      %dma_start3A_434 = tpu.memref_slice %arg5[%add3A_430] : memref<1024xi32, #tpu.memory_space<vmem>> -> memref<8xi32, #tpu.memory_space<vmem>>
      %dma_start3A_435 = arith.constant 0 : i32
      %dma_start3A_436 = arith.constant 0 : i32
      %dma_start3A_437 = tpu.memref_slice %arg2[%dma_start3A_435, %dma_start3A_436] : memref<8192x1024xf32, #tpu.memory_space<hbm>> -> memref<8192x1024xf32, #tpu.memory_space<hbm>>
      tpu.enqueue_indirect_dma source(%dma_start3A_437 : memref<8192x1024xf32, #tpu.memory_space<hbm>>) target(%dma_start3A_433 : memref<8x1024xf32, #tpu.memory_space<vmem>>) offsets(%dma_start3A_434 : memref<8xi32, #tpu.memory_space<vmem>>) semaphore(%arg11 : memref<!tpu.dma_semaphore, #tpu.memory_space<semaphore_mem>>)
      %mul3A_438 = arith.constant 32 : i32
      %mul3A_439 = arith.muli %add3A_404, %mul3A_438 : i32
      %add3A_440 = arith.constant 24 : i32
      %add3A_441 = arith.addi %mul3A_439, %add3A_440 : i32
      %dma_start3A_442 = arith.constant 24 : i32
      %dma_start3A_443 = arith.constant 0 : i32
      %dma_start3A_444 = tpu.memref_slice %arg8[%dma_start3A_442, %dma_start3A_443] : memref<32x1024xf32, #tpu.memory_space<vmem>> -> memref<8x1024xf32, #tpu.memory_space<vmem>>
      %dma_start3A_445 = tpu.memref_slice %arg5[%add3A_441] : memref<1024xi32, #tpu.memory_space<vmem>> -> memref<8xi32, #tpu.memory_space<vmem>>
      %dma_start3A_446 = arith.constant 0 : i32
      %dma_start3A_447 = arith.constant 0 : i32
      %dma_start3A_448 = tpu.memref_slice %arg2[%dma_start3A_446, %dma_start3A_447] : memref<8192x1024xf32, #tpu.memory_space<hbm>> -> memref<8192x1024xf32, #tpu.memory_space<hbm>>
      tpu.enqueue_indirect_dma source(%dma_start3A_448 : memref<8192x1024xf32, #tpu.memory_space<hbm>>) target(%dma_start3A_444 : memref<8x1024xf32, #tpu.memory_space<vmem>>) offsets(%dma_start3A_445 : memref<8xi32, #tpu.memory_space<vmem>>) semaphore(%arg11 : memref<!tpu.dma_semaphore, #tpu.memory_space<semaphore_mem>>)
    }
    %scan3A_101 = arith.constant 9 : i32
    %dma_wait3A = arith.constant 0 : i32
    %dma_wait3A_102 = arith.constant 0 : i32
    %dma_wait3A_103 = tpu.memref_slice %arg2[%dma_wait3A, %dma_wait3A_102] : memref<8192x1024xf32, #tpu.memory_space<hbm>> -> memref<32x1024xf32, #tpu.memory_space<hbm>>
    %dma_wait3A_104 = arith.constant 0 : i32
    %dma_wait3A_105 = arith.constant 0 : i32
    %dma_wait3A_106 = tpu.memref_slice %arg2[%dma_wait3A_104, %dma_wait3A_105] : memref<8192x1024xf32, #tpu.memory_space<hbm>> -> memref<32x1024xf32, #tpu.memory_space<hbm>>
    tpu.wait_dma2 semaphore(%arg9 : memref<!tpu.dma_semaphore, #tpu.memory_space<semaphore_mem>>) src(%dma_wait3A_106 : memref<32x1024xf32, #tpu.memory_space<hbm>>) dst(%arg6 : memref<32x1024xf32, #tpu.memory_space<vmem>>)
    %add3A_107 = arith.constant 864 : i32
    %add3A_108 = arith.addi %mul3A_2, %add3A_107 : i32
    %dma_start3A_109 = arith.constant 0 : i32
    %dma_start3A_110 = tpu.memref_slice %arg4[%add3A_108, %dma_start3A_109] : memref<32768x1024xf32, #tpu.memory_space<hbm>> -> memref<32x1024xf32, #tpu.memory_space<hbm>>
    %dma_start3A_111 = arith.constant 0 : i32
    %dma_start3A_112 = tpu.memref_slice %arg4[%add3A_108, %dma_start3A_111] : memref<32768x1024xf32, #tpu.memory_space<hbm>> -> memref<32x1024xf32, #tpu.memory_space<hbm>>
    tpu.enqueue_dma source(%arg6 : memref<32x1024xf32, #tpu.memory_space<vmem>>) target(%dma_start3A_112 : memref<32x1024xf32, #tpu.memory_space<hbm>>) target_semaphore(%arg12 : memref<!tpu.dma_semaphore, #tpu.memory_space<semaphore_mem>>)
    %dma_wait3A_113 = arith.constant 0 : i32
    %dma_wait3A_114 = arith.constant 0 : i32
    %dma_wait3A_115 = tpu.memref_slice %arg2[%dma_wait3A_113, %dma_wait3A_114] : memref<8192x1024xf32, #tpu.memory_space<hbm>> -> memref<32x1024xf32, #tpu.memory_space<hbm>>
    %dma_wait3A_116 = arith.constant 0 : i32
    %dma_wait3A_117 = arith.constant 0 : i32
    %dma_wait3A_118 = tpu.memref_slice %arg2[%dma_wait3A_116, %dma_wait3A_117] : memref<8192x1024xf32, #tpu.memory_space<hbm>> -> memref<32x1024xf32, #tpu.memory_space<hbm>>
    tpu.wait_dma2 semaphore(%arg10 : memref<!tpu.dma_semaphore, #tpu.memory_space<semaphore_mem>>) src(%dma_wait3A_118 : memref<32x1024xf32, #tpu.memory_space<hbm>>) dst(%arg7 : memref<32x1024xf32, #tpu.memory_space<vmem>>)
    %add3A_119 = arith.constant 896 : i32
    %add3A_120 = arith.addi %mul3A_2, %add3A_119 : i32
    %dma_start3A_121 = arith.constant 0 : i32
    %dma_start3A_122 = tpu.memref_slice %arg4[%add3A_120, %dma_start3A_121] : memref<32768x1024xf32, #tpu.memory_space<hbm>> -> memref<32x1024xf32, #tpu.memory_space<hbm>>
    %dma_start3A_123 = arith.constant 0 : i32
    %dma_start3A_124 = tpu.memref_slice %arg4[%add3A_120, %dma_start3A_123] : memref<32768x1024xf32, #tpu.memory_space<hbm>> -> memref<32x1024xf32, #tpu.memory_space<hbm>>
    tpu.enqueue_dma source(%arg7 : memref<32x1024xf32, #tpu.memory_space<vmem>>) target(%dma_start3A_124 : memref<32x1024xf32, #tpu.memory_space<hbm>>) target_semaphore(%arg13 : memref<!tpu.dma_semaphore, #tpu.memory_space<semaphore_mem>>)
    %dma_wait3A_125 = arith.constant 0 : i32
    %dma_wait3A_126 = arith.constant 0 : i32
    %dma_wait3A_127 = tpu.memref_slice %arg2[%dma_wait3A_125, %dma_wait3A_126] : memref<8192x1024xf32, #tpu.memory_space<hbm>> -> memref<32x1024xf32, #tpu.memory_space<hbm>>
    %dma_wait3A_128 = arith.constant 0 : i32
    %dma_wait3A_129 = arith.constant 0 : i32
    %dma_wait3A_130 = tpu.memref_slice %arg2[%dma_wait3A_128, %dma_wait3A_129] : memref<8192x1024xf32, #tpu.memory_space<hbm>> -> memref<32x1024xf32, #tpu.memory_space<hbm>>
    tpu.wait_dma2 semaphore(%arg11 : memref<!tpu.dma_semaphore, #tpu.memory_space<semaphore_mem>>) src(%dma_wait3A_130 : memref<32x1024xf32, #tpu.memory_space<hbm>>) dst(%arg8 : memref<32x1024xf32, #tpu.memory_space<vmem>>)
    %add3A_131 = arith.constant 928 : i32
    %add3A_132 = arith.addi %mul3A_2, %add3A_131 : i32
    %dma_start3A_133 = arith.constant 0 : i32
    %dma_start3A_134 = tpu.memref_slice %arg4[%add3A_132, %dma_start3A_133] : memref<32768x1024xf32, #tpu.memory_space<hbm>> -> memref<32x1024xf32, #tpu.memory_space<hbm>>
    %dma_start3A_135 = arith.constant 0 : i32
    %dma_start3A_136 = tpu.memref_slice %arg4[%add3A_132, %dma_start3A_135] : memref<32768x1024xf32, #tpu.memory_space<hbm>> -> memref<32x1024xf32, #tpu.memory_space<hbm>>
    tpu.enqueue_dma source(%arg8 : memref<32x1024xf32, #tpu.memory_space<vmem>>) target(%dma_start3A_136 : memref<32x1024xf32, #tpu.memory_space<hbm>>) target_semaphore(%arg14 : memref<!tpu.dma_semaphore, #tpu.memory_space<semaphore_mem>>)
    %dma_wait3A_137 = arith.constant 0 : i32
    %dma_wait3A_138 = tpu.memref_slice %arg4[%mul3A_2, %dma_wait3A_137] : memref<32768x1024xf32, #tpu.memory_space<hbm>> -> memref<32x1024xf32, #tpu.memory_space<hbm>>
    %dma_wait3A_139 = arith.constant 0 : i32
    %dma_wait3A_140 = tpu.memref_slice %arg4[%mul3A_2, %dma_wait3A_139] : memref<32768x1024xf32, #tpu.memory_space<hbm>> -> memref<32x1024xf32, #tpu.memory_space<hbm>>
    tpu.wait_dma2 semaphore(%arg12 : memref<!tpu.dma_semaphore, #tpu.memory_space<semaphore_mem>>) src(%arg6 : memref<32x1024xf32, #tpu.memory_space<vmem>>) dst(%dma_wait3A_140 : memref<32x1024xf32, #tpu.memory_space<hbm>>)
    %dma_start3A_141 = arith.constant 0 : i32
    %dma_start3A_142 = arith.constant 0 : i32
    %dma_start3A_143 = tpu.memref_slice %arg6[%dma_start3A_141, %dma_start3A_142] : memref<32x1024xf32, #tpu.memory_space<vmem>> -> memref<8x1024xf32, #tpu.memory_space<vmem>>
    %dma_start3A_144 = arith.constant 960 : i32
    %dma_start3A_145 = tpu.memref_slice %arg5[%dma_start3A_144] : memref<1024xi32, #tpu.memory_space<vmem>> -> memref<8xi32, #tpu.memory_space<vmem>>
    %dma_start3A_146 = arith.constant 0 : i32
    %dma_start3A_147 = arith.constant 0 : i32
    %dma_start3A_148 = tpu.memref_slice %arg2[%dma_start3A_146, %dma_start3A_147] : memref<8192x1024xf32, #tpu.memory_space<hbm>> -> memref<8192x1024xf32, #tpu.memory_space<hbm>>
    tpu.enqueue_indirect_dma source(%dma_start3A_148 : memref<8192x1024xf32, #tpu.memory_space<hbm>>) target(%dma_start3A_143 : memref<8x1024xf32, #tpu.memory_space<vmem>>) offsets(%dma_start3A_145 : memref<8xi32, #tpu.memory_space<vmem>>) semaphore(%arg9 : memref<!tpu.dma_semaphore, #tpu.memory_space<semaphore_mem>>)
    %dma_start3A_149 = arith.constant 8 : i32
    %dma_start3A_150 = arith.constant 0 : i32
    %dma_start3A_151 = tpu.memref_slice %arg6[%dma_start3A_149, %dma_start3A_150] : memref<32x1024xf32, #tpu.memory_space<vmem>> -> memref<8x1024xf32, #tpu.memory_space<vmem>>
    %dma_start3A_152 = arith.constant 968 : i32
    %dma_start3A_153 = tpu.memref_slice %arg5[%dma_start3A_152] : memref<1024xi32, #tpu.memory_space<vmem>> -> memref<8xi32, #tpu.memory_space<vmem>>
    %dma_start3A_154 = arith.constant 0 : i32
    %dma_start3A_155 = arith.constant 0 : i32
    %dma_start3A_156 = tpu.memref_slice %arg2[%dma_start3A_154, %dma_start3A_155] : memref<8192x1024xf32, #tpu.memory_space<hbm>> -> memref<8192x1024xf32, #tpu.memory_space<hbm>>
    tpu.enqueue_indirect_dma source(%dma_start3A_156 : memref<8192x1024xf32, #tpu.memory_space<hbm>>) target(%dma_start3A_151 : memref<8x1024xf32, #tpu.memory_space<vmem>>) offsets(%dma_start3A_153 : memref<8xi32, #tpu.memory_space<vmem>>) semaphore(%arg9 : memref<!tpu.dma_semaphore, #tpu.memory_space<semaphore_mem>>)
    %dma_start3A_157 = arith.constant 16 : i32
    %dma_start3A_158 = arith.constant 0 : i32
    %dma_start3A_159 = tpu.memref_slice %arg6[%dma_start3A_157, %dma_start3A_158] : memref<32x1024xf32, #tpu.memory_space<vmem>> -> memref<8x1024xf32, #tpu.memory_space<vmem>>
    %dma_start3A_160 = arith.constant 976 : i32
    %dma_start3A_161 = tpu.memref_slice %arg5[%dma_start3A_160] : memref<1024xi32, #tpu.memory_space<vmem>> -> memref<8xi32, #tpu.memory_space<vmem>>
    %dma_start3A_162 = arith.constant 0 : i32
    %dma_start3A_163 = arith.constant 0 : i32
    %dma_start3A_164 = tpu.memref_slice %arg2[%dma_start3A_162, %dma_start3A_163] : memref<8192x1024xf32, #tpu.memory_space<hbm>> -> memref<8192x1024xf32, #tpu.memory_space<hbm>>
    tpu.enqueue_indirect_dma source(%dma_start3A_164 : memref<8192x1024xf32, #tpu.memory_space<hbm>>) target(%dma_start3A_159 : memref<8x1024xf32, #tpu.memory_space<vmem>>) offsets(%dma_start3A_161 : memref<8xi32, #tpu.memory_space<vmem>>) semaphore(%arg9 : memref<!tpu.dma_semaphore, #tpu.memory_space<semaphore_mem>>)
    %dma_start3A_165 = arith.constant 24 : i32
    %dma_start3A_166 = arith.constant 0 : i32
    %dma_start3A_167 = tpu.memref_slice %arg6[%dma_start3A_165, %dma_start3A_166] : memref<32x1024xf32, #tpu.memory_space<vmem>> -> memref<8x1024xf32, #tpu.memory_space<vmem>>
    %dma_start3A_168 = arith.constant 984 : i32
    %dma_start3A_169 = tpu.memref_slice %arg5[%dma_start3A_168] : memref<1024xi32, #tpu.memory_space<vmem>> -> memref<8xi32, #tpu.memory_space<vmem>>
    %dma_start3A_170 = arith.constant 0 : i32
    %dma_start3A_171 = arith.constant 0 : i32
    %dma_start3A_172 = tpu.memref_slice %arg2[%dma_start3A_170, %dma_start3A_171] : memref<8192x1024xf32, #tpu.memory_space<hbm>> -> memref<8192x1024xf32, #tpu.memory_space<hbm>>
    tpu.enqueue_indirect_dma source(%dma_start3A_172 : memref<8192x1024xf32, #tpu.memory_space<hbm>>) target(%dma_start3A_167 : memref<8x1024xf32, #tpu.memory_space<vmem>>) offsets(%dma_start3A_169 : memref<8xi32, #tpu.memory_space<vmem>>) semaphore(%arg9 : memref<!tpu.dma_semaphore, #tpu.memory_space<semaphore_mem>>)
    %dma_wait3A_173 = arith.constant 0 : i32
    %dma_wait3A_174 = tpu.memref_slice %arg4[%mul3A_2, %dma_wait3A_173] : memref<32768x1024xf32, #tpu.memory_space<hbm>> -> memref<32x1024xf32, #tpu.memory_space<hbm>>
    %dma_wait3A_175 = arith.constant 0 : i32
    %dma_wait3A_176 = tpu.memref_slice %arg4[%mul3A_2, %dma_wait3A_175] : memref<32768x1024xf32, #tpu.memory_space<hbm>> -> memref<32x1024xf32, #tpu.memory_space<hbm>>
    tpu.wait_dma2 semaphore(%arg13 : memref<!tpu.dma_semaphore, #tpu.memory_space<semaphore_mem>>) src(%arg7 : memref<32x1024xf32, #tpu.memory_space<vmem>>) dst(%dma_wait3A_176 : memref<32x1024xf32, #tpu.memory_space<hbm>>)
    %dma_start3A_177 = arith.constant 0 : i32
    %dma_start3A_178 = arith.constant 0 : i32
    %dma_start3A_179 = tpu.memref_slice %arg7[%dma_start3A_177, %dma_start3A_178] : memref<32x1024xf32, #tpu.memory_space<vmem>> -> memref<8x1024xf32, #tpu.memory_space<vmem>>
    %dma_start3A_180 = arith.constant 992 : i32
    %dma_start3A_181 = tpu.memref_slice %arg5[%dma_start3A_180] : memref<1024xi32, #tpu.memory_space<vmem>> -> memref<8xi32, #tpu.memory_space<vmem>>
    %dma_start3A_182 = arith.constant 0 : i32
    %dma_start3A_183 = arith.constant 0 : i32
    %dma_start3A_184 = tpu.memref_slice %arg2[%dma_start3A_182, %dma_start3A_183] : memref<8192x1024xf32, #tpu.memory_space<hbm>> -> memref<8192x1024xf32, #tpu.memory_space<hbm>>
    tpu.enqueue_indirect_dma source(%dma_start3A_184 : memref<8192x1024xf32, #tpu.memory_space<hbm>>) target(%dma_start3A_179 : memref<8x1024xf32, #tpu.memory_space<vmem>>) offsets(%dma_start3A_181 : memref<8xi32, #tpu.memory_space<vmem>>) semaphore(%arg10 : memref<!tpu.dma_semaphore, #tpu.memory_space<semaphore_mem>>)
    %dma_start3A_185 = arith.constant 8 : i32
    %dma_start3A_186 = arith.constant 0 : i32
    %dma_start3A_187 = tpu.memref_slice %arg7[%dma_start3A_185, %dma_start3A_186] : memref<32x1024xf32, #tpu.memory_space<vmem>> -> memref<8x1024xf32, #tpu.memory_space<vmem>>
    %dma_start3A_188 = arith.constant 1000 : i32
    %dma_start3A_189 = tpu.memref_slice %arg5[%dma_start3A_188] : memref<1024xi32, #tpu.memory_space<vmem>> -> memref<8xi32, #tpu.memory_space<vmem>>
    %dma_start3A_190 = arith.constant 0 : i32
    %dma_start3A_191 = arith.constant 0 : i32
    %dma_start3A_192 = tpu.memref_slice %arg2[%dma_start3A_190, %dma_start3A_191] : memref<8192x1024xf32, #tpu.memory_space<hbm>> -> memref<8192x1024xf32, #tpu.memory_space<hbm>>
    tpu.enqueue_indirect_dma source(%dma_start3A_192 : memref<8192x1024xf32, #tpu.memory_space<hbm>>) target(%dma_start3A_187 : memref<8x1024xf32, #tpu.memory_space<vmem>>) offsets(%dma_start3A_189 : memref<8xi32, #tpu.memory_space<vmem>>) semaphore(%arg10 : memref<!tpu.dma_semaphore, #tpu.memory_space<semaphore_mem>>)
    %dma_start3A_193 = arith.constant 16 : i32
    %dma_start3A_194 = arith.constant 0 : i32
    %dma_start3A_195 = tpu.memref_slice %arg7[%dma_start3A_193, %dma_start3A_194] : memref<32x1024xf32, #tpu.memory_space<vmem>> -> memref<8x1024xf32, #tpu.memory_space<vmem>>
    %dma_start3A_196 = arith.constant 1008 : i32
    %dma_start3A_197 = tpu.memref_slice %arg5[%dma_start3A_196] : memref<1024xi32, #tpu.memory_space<vmem>> -> memref<8xi32, #tpu.memory_space<vmem>>
    %dma_start3A_198 = arith.constant 0 : i32
    %dma_start3A_199 = arith.constant 0 : i32
    %dma_start3A_200 = tpu.memref_slice %arg2[%dma_start3A_198, %dma_start3A_199] : memref<8192x1024xf32, #tpu.memory_space<hbm>> -> memref<8192x1024xf32, #tpu.memory_space<hbm>>
    tpu.enqueue_indirect_dma source(%dma_start3A_200 : memref<8192x1024xf32, #tpu.memory_space<hbm>>) target(%dma_start3A_195 : memref<8x1024xf32, #tpu.memory_space<vmem>>) offsets(%dma_start3A_197 : memref<8xi32, #tpu.memory_space<vmem>>) semaphore(%arg10 : memref<!tpu.dma_semaphore, #tpu.memory_space<semaphore_mem>>)
    %dma_start3A_201 = arith.constant 24 : i32
    %dma_start3A_202 = arith.constant 0 : i32
    %dma_start3A_203 = tpu.memref_slice %arg7[%dma_start3A_201, %dma_start3A_202] : memref<32x1024xf32, #tpu.memory_space<vmem>> -> memref<8x1024xf32, #tpu.memory_space<vmem>>
    %dma_start3A_204 = arith.constant 1016 : i32
    %dma_start3A_205 = tpu.memref_slice %arg5[%dma_start3A_204] : memref<1024xi32, #tpu.memory_space<vmem>> -> memref<8xi32, #tpu.memory_space<vmem>>
    %dma_start3A_206 = arith.constant 0 : i32
    %dma_start3A_207 = arith.constant 0 : i32
    %dma_start3A_208 = tpu.memref_slice %arg2[%dma_start3A_206, %dma_start3A_207] : memref<8192x1024xf32, #tpu.memory_space<hbm>> -> memref<8192x1024xf32, #tpu.memory_space<hbm>>
    tpu.enqueue_indirect_dma source(%dma_start3A_208 : memref<8192x1024xf32, #tpu.memory_space<hbm>>) target(%dma_start3A_203 : memref<8x1024xf32, #tpu.memory_space<vmem>>) offsets(%dma_start3A_205 : memref<8xi32, #tpu.memory_space<vmem>>) semaphore(%arg10 : memref<!tpu.dma_semaphore, #tpu.memory_space<semaphore_mem>>)
    %dma_wait3A_209 = arith.constant 0 : i32
    %dma_wait3A_210 = tpu.memref_slice %arg4[%mul3A_2, %dma_wait3A_209] : memref<32768x1024xf32, #tpu.memory_space<hbm>> -> memref<32x1024xf32, #tpu.memory_space<hbm>>
    %dma_wait3A_211 = arith.constant 0 : i32
    %dma_wait3A_212 = tpu.memref_slice %arg4[%mul3A_2, %dma_wait3A_211] : memref<32768x1024xf32, #tpu.memory_space<hbm>> -> memref<32x1024xf32, #tpu.memory_space<hbm>>
    tpu.wait_dma2 semaphore(%arg14 : memref<!tpu.dma_semaphore, #tpu.memory_space<semaphore_mem>>) src(%arg8 : memref<32x1024xf32, #tpu.memory_space<vmem>>) dst(%dma_wait3A_212 : memref<32x1024xf32, #tpu.memory_space<hbm>>)
    %dma_wait3A_213 = arith.constant 0 : i32
    %dma_wait3A_214 = arith.constant 0 : i32
    %dma_wait3A_215 = tpu.memref_slice %arg2[%dma_wait3A_213, %dma_wait3A_214] : memref<8192x1024xf32, #tpu.memory_space<hbm>> -> memref<32x1024xf32, #tpu.memory_space<hbm>>
    %dma_wait3A_216 = arith.constant 0 : i32
    %dma_wait3A_217 = arith.constant 0 : i32
    %dma_wait3A_218 = tpu.memref_slice %arg2[%dma_wait3A_216, %dma_wait3A_217] : memref<8192x1024xf32, #tpu.memory_space<hbm>> -> memref<32x1024xf32, #tpu.memory_space<hbm>>
    tpu.wait_dma2 semaphore(%arg9 : memref<!tpu.dma_semaphore, #tpu.memory_space<semaphore_mem>>) src(%dma_wait3A_218 : memref<32x1024xf32, #tpu.memory_space<hbm>>) dst(%arg6 : memref<32x1024xf32, #tpu.memory_space<vmem>>)
    %add3A_219 = arith.constant 960 : i32
    %add3A_220 = arith.addi %mul3A_2, %add3A_219 : i32
    %dma_start3A_221 = arith.constant 0 : i32
    %dma_start3A_222 = tpu.memref_slice %arg4[%add3A_220, %dma_start3A_221] : memref<32768x1024xf32, #tpu.memory_space<hbm>> -> memref<32x1024xf32, #tpu.memory_space<hbm>>
    %dma_start3A_223 = arith.constant 0 : i32
    %dma_start3A_224 = tpu.memref_slice %arg4[%add3A_220, %dma_start3A_223] : memref<32768x1024xf32, #tpu.memory_space<hbm>> -> memref<32x1024xf32, #tpu.memory_space<hbm>>
    tpu.enqueue_dma source(%arg6 : memref<32x1024xf32, #tpu.memory_space<vmem>>) target(%dma_start3A_224 : memref<32x1024xf32, #tpu.memory_space<hbm>>) target_semaphore(%arg12 : memref<!tpu.dma_semaphore, #tpu.memory_space<semaphore_mem>>)
    %dma_wait3A_225 = arith.constant 0 : i32
    %dma_wait3A_226 = arith.constant 0 : i32
    %dma_wait3A_227 = tpu.memref_slice %arg2[%dma_wait3A_225, %dma_wait3A_226] : memref<8192x1024xf32, #tpu.memory_space<hbm>> -> memref<32x1024xf32, #tpu.memory_space<hbm>>
    %dma_wait3A_228 = arith.constant 0 : i32
    %dma_wait3A_229 = arith.constant 0 : i32
    %dma_wait3A_230 = tpu.memref_slice %arg2[%dma_wait3A_228, %dma_wait3A_229] : memref<8192x1024xf32, #tpu.memory_space<hbm>> -> memref<32x1024xf32, #tpu.memory_space<hbm>>
    tpu.wait_dma2 semaphore(%arg10 : memref<!tpu.dma_semaphore, #tpu.memory_space<semaphore_mem>>) src(%dma_wait3A_230 : memref<32x1024xf32, #tpu.memory_space<hbm>>) dst(%arg7 : memref<32x1024xf32, #tpu.memory_space<vmem>>)
    %add3A_231 = arith.constant 992 : i32
    %add3A_232 = arith.addi %mul3A_2, %add3A_231 : i32
    %dma_start3A_233 = arith.constant 0 : i32
    %dma_start3A_234 = tpu.memref_slice %arg4[%add3A_232, %dma_start3A_233] : memref<32768x1024xf32, #tpu.memory_space<hbm>> -> memref<32x1024xf32, #tpu.memory_space<hbm>>
    %dma_start3A_235 = arith.constant 0 : i32
    %dma_start3A_236 = tpu.memref_slice %arg4[%add3A_232, %dma_start3A_235] : memref<32768x1024xf32, #tpu.memory_space<hbm>> -> memref<32x1024xf32, #tpu.memory_space<hbm>>
    tpu.enqueue_dma source(%arg7 : memref<32x1024xf32, #tpu.memory_space<vmem>>) target(%dma_start3A_236 : memref<32x1024xf32, #tpu.memory_space<hbm>>) target_semaphore(%arg13 : memref<!tpu.dma_semaphore, #tpu.memory_space<semaphore_mem>>)
    %dma_wait3A_237 = arith.constant 0 : i32
    %dma_wait3A_238 = tpu.memref_slice %arg4[%mul3A_2, %dma_wait3A_237] : memref<32768x1024xf32, #tpu.memory_space<hbm>> -> memref<32x1024xf32, #tpu.memory_space<hbm>>
    %dma_wait3A_239 = arith.constant 0 : i32
    %dma_wait3A_240 = tpu.memref_slice %arg4[%mul3A_2, %dma_wait3A_239] : memref<32768x1024xf32, #tpu.memory_space<hbm>> -> memref<32x1024xf32, #tpu.memory_space<hbm>>
    tpu.wait_dma2 semaphore(%arg12 : memref<!tpu.dma_semaphore, #tpu.memory_space<semaphore_mem>>) src(%arg6 : memref<32x1024xf32, #tpu.memory_space<vmem>>) dst(%dma_wait3A_240 : memref<32x1024xf32, #tpu.memory_space<hbm>>)
    %dma_wait3A_241 = arith.constant 0 : i32
    %dma_wait3A_242 = tpu.memref_slice %arg4[%mul3A_2, %dma_wait3A_241] : memref<32768x1024xf32, #tpu.memory_space<hbm>> -> memref<32x1024xf32, #tpu.memory_space<hbm>>
    %dma_wait3A_243 = arith.constant 0 : i32
    %dma_wait3A_244 = tpu.memref_slice %arg4[%mul3A_2, %dma_wait3A_243] : memref<32768x1024xf32, #tpu.memory_space<hbm>> -> memref<32x1024xf32, #tpu.memory_space<hbm>>
    tpu.wait_dma2 semaphore(%arg13 : memref<!tpu.dma_semaphore, #tpu.memory_space<semaphore_mem>>) src(%arg7 : memref<32x1024xf32, #tpu.memory_space<vmem>>) dst(%dma_wait3A_244 : memref<32x1024xf32, #tpu.memory_space<hbm>>)
    return
  }
}

</mosaic_0001>

<sc_bundles>
// kernel: kernel.3.cloned.1.call-start
scs
__scs_entry_jumppad:
0x0: {  	(pc) =	sbr.rel $0x88, $3  }
0x1: {  	(tag) =	ssettag $0x0;
	lr =	simm.s32 $0x1  }
0x2: {  	[smem:$0x3F9F] =	sst lr;
	_ =	strace $0xD0000000  }
0x3: {  	_ = 	snop  }
0x4: {  	_ = 	snop  }
0x5: {  	_ = 	snop  }
0x6: {  	_ = 	snop  }
0x7: {  	_ = 	snop  }
__scs_overlays_trampoline_lowered:
0x8: {  	[smem:$0x3FAE] =	sst s0  }
0x9: {  	[smem:$0x3FAF] =	sst s1  }
0xa: {  	[smem:$0x3FB0] =	sst s2  }
0xb: {  	[smem:$0x3FB1] =	sst s3  }
0xc: {  	[smem:$0x3FB2] =	sst s4  }
0xd: {  	[smem:$0x3FB3] =	sst s5  }
0xe: {  	[smem:$0x3FB4] =	sst s6  }
0xf: {  	[smem:$0x3FB5] =	sst s7  }
0x10: {  	[smem:$0x3FB6] =	sst s8  }
0x11: {  	[smem:$0x3FB7] =	sst s9;
	s0 =	simm.s32 @!p0 $0x0  }
0x12: {  	s1 =	sld [smem:$0x3F9D];
	s0 =	simm.s32 @p0 $0x1  }
0x13: {  	[smem:$0x3FB8] =	sst s0;
	s0 =	simm.s32 @!p1 $0x0  }
0x14: {  	s2 =	sld [smem:$0x3F9C];
	s0 =	simm.s32 @p1 $0x1  }
0x15: {  	[smem:$0x3FB9] =	sst s0;
	s0 =	simm.s32 @!p2 $0x0  }
0x16: {  	s3 =	sld [smem:$0x3FDB];
	s0 =	simm.s32 @p2 $0x1  }
0x17: {  	s4 =	simm.s32 $0x1BF5;
	[smem:$0x3FBB] =	sst s0  }
0x18: {  	s0 =	sld [smem:$0x3F9E];
	_ =	swait.ge [sflag:s4], $0x0  }
0x19: {  	s7 =	sld [smem:$0x3F9F]  }
0x1a: {  	s8 =	sadd.s32 $0xFFFFE003, lr  }
0x1b: {  	s9 =	sadd.s32 $0xFFFFFEF7, lr;
	s5 =	simm.s32 $0xFFFFFFFF;
	p2 =	slt.u32 s8, $0xFFFFF086  }
0x1c: {  	p1 =	slt.u32 s9, $0xF7A;
	s5 =	simm.s32 @!p2 $0x0  }
0x1d: {  	s5 =	simm.s32 @p1 $0x1;
	p0 =	seq.s32 s7, s2  }
0x1e: {  	s7 =	smul.u32 @!p0 $0xF7A, s2;
	p2 =	seq.s32 @!p0 s5, $0x0  }
0x1f: {  	s9 =	smul.u32 $0xF7A, s1;
	s8 =	simm.s32 @!p0 $0x1BF5;
	p2 =	por !p2, p0  }
0x20: {  	[sflag:s8] =	ssyncset.s32 @!p0 $0xFFFFF086;
	s6 =	sadd.s32 @!p0 s3, s7;
	s7 =	simm.s32 @!p0 $0x108  }
0x21: {  	s3 =	sadd.s32 s3, s9;
	s6 =	sadd.s32 @!p0 $0x88, s6;
	s7 =	simm.s32 @p2 $0x1082  }
0x22: {  	[simem:s7], [sflag:s8] =	dma.local @!p0 [hbm:s6], $0xF7A  }
0x23: {  	s9 =	sor.u32 $0xD0000000, s2;
	s6 =	simm.s32 $0x108;
	_ =	swait.ge @!p0 [sflag:s8], $0x0  }
0x24: {  	s3 =	sadd.s32 $0x88, s3;
	s6 =	simm.s32 @!p1 $0x1082;
	[sflag:s4] =	ssyncset.s32 $0xFFFFF086  }
0x25: {  	[simem:s6], [sflag:s4] =	dma.local [hbm:s3], $0xF7A  }
0x26: {  	[smem:$0x3F9F] =	sst s1;
	(tag) =	ssettag s2;
	_ =	strace s9  }
0x27: {  	s1 =	sld [smem:$0x3FAF]  }
0x28: {  	s2 =	sld [smem:$0x3FB0]  }
0x29: {  	s4 =	sld [smem:$0x3FB2]  }
0x2a: {  	p0 =	seq.s32 s5, $0x0;
	s5 =	sld [smem:$0x3FB3]  }
0x2b: {  	s6 =	sld [smem:$0x3FB4]  }
0x2c: {  	s7 =	sld [smem:$0x3FB5]  }
0x2d: {  	s3 =	simm.s32 $0x108;
	s8 =	sld [smem:$0x3FB6]  }
0x2e: {  	s3 =	simm.s32 @!p0 $0x1082;
	s9 =	sld [smem:$0x3FB7]  }
0x2f: {  	lr =	sadd.s32 s0, s3;
	s0 =	sld [smem:$0x3FAE]  }
0x30: {  	s3 =	sld [smem:$0x3FB1]  }
0x31: {  	[smem:$0x3FBA] =	sst s10  }
0x32: {  	s10 =	sld [smem:$0x3FB8];
	_ =	sdelay $0x3  }
0x33: {  	p0 =	seq.s32 s10, $0x1;
	s10 =	sld [smem:$0x3FBA];
	_ =	sdelay $0x3  }
0x34: {  	[smem:$0x3FBA] =	sst s10  }
0x35: {  	s10 =	sld [smem:$0x3FB9];
	_ =	sdelay $0x3  }
0x36: {  	p1 =	seq.s32 s10, $0x1;
	s10 =	sld [smem:$0x3FBA];
	_ =	sdelay $0x3  }
0x37: {  	[smem:$0x3FBA] =	sst s10  }
0x38: {  	s10 =	sld [smem:$0x3FBB]  }
0x39: {  	_ = 	snop;
	(pc) =	sbr.ind lr, $3  }
0x3a: {  	_ = 	snop  }
0x3b: {  	_ = 	snop  }
0x3c: {  	p2 =	seq.s32 s10, $0x1;
	s10 =	sld [smem:$0x3FBA]  }
0x3d: {  	_ =	shalt  }
0x3e: {  	_ =	shalt  }
0x3f: {  	_ =	shalt  }
0x40: {  	_ =	shalt  }
0x41: {  	_ =	shalt  }
0x42: {  	_ =	shalt  }
0x43: {  	_ =	shalt  }
0x44: {  	_ =	shalt  }
0x45: {  	_ =	shalt  }
0x46: {  	_ =	shalt  }
0x47: {  	_ =	shalt  }
0x48: {  	_ =	shalt  }
0x49: {  	_ =	shalt  }
0x4a: {  	_ =	shalt  }
0x4b: {  	_ =	shalt  }
0x4c: {  	_ =	shalt  }
0x4d: {  	_ =	shalt  }
0x4e: {  	_ =	shalt  }
0x4f: {  	_ =	shalt  }
0x50: {  	_ =	shalt  }
0x51: {  	_ =	shalt  }
0x52: {  	_ =	shalt  }
0x53: {  	_ =	shalt  }
0x54: {  	_ =	shalt  }
0x55: {  	_ =	shalt  }
0x56: {  	_ =	shalt  }
0x57: {  	_ =	shalt  }
0x58: {  	_ =	shalt  }
0x59: {  	_ =	shalt  }
0x5a: {  	_ =	shalt  }
0x5b: {  	_ =	shalt  }
0x5c: {  	_ =	shalt  }
0x5d: {  	_ =	shalt  }
0x5e: {  	_ =	shalt  }
0x5f: {  	_ =	shalt  }
0x60: {  	_ =	shalt  }
0x61: {  	_ =	shalt  }
0x62: {  	_ =	shalt  }
0x63: {  	_ =	shalt  }
0x64: {  	_ =	shalt  }
0x65: {  	_ =	shalt  }
0x66: {  	_ =	shalt  }
0x67: {  	_ =	shalt  }
0x68: {  	_ =	shalt  }
0x69: {  	_ =	shalt  }
0x6a: {  	_ =	shalt  }
0x6b: {  	_ =	shalt  }
0x6c: {  	_ =	shalt  }
0x6d: {  	_ =	shalt  }
0x6e: {  	_ =	shalt  }
0x6f: {  	_ =	shalt  }
0x70: {  	_ =	shalt  }
0x71: {  	_ =	shalt  }
0x72: {  	_ =	shalt  }
0x73: {  	_ =	shalt  }
0x74: {  	_ =	shalt  }
0x75: {  	_ =	shalt  }
0x76: {  	_ =	shalt  }
0x77: {  	_ =	shalt  }
0x78: {  	_ =	shalt  }
0x79: {  	_ =	shalt  }
0x7a: {  	_ =	shalt  }
0x7b: {  	_ =	shalt  }
0x7c: {  	_ =	shalt  }
0x7d: {  	_ =	shalt  }
0x7e: {  	_ =	shalt  }
0x7f: {  	_ =	shalt  }
0x80: {  	_ =	shalt  }
0x81: {  	_ =	shalt  }
0x82: {  	_ =	shalt  }
0x83: {  	_ =	shalt  }
0x84: {  	_ =	shalt  }
0x85: {  	_ =	shalt  }
0x86: {  	_ =	shalt  }
0x87: {  	_ =	shalt  }
.Lfunc_end0:
.L_simem_size_0:
called_computation_lowered:
.L_overlay_start_0:
0x88: {  	s2 =	sld [smem:$0x3FD9]  }
0x89: {  	s3 =	sld [smem:$0x3FFE];
	_ =	sdelay $0x1  }
0x8a: {  	s1 =	srdreg.scid  }
0x8b: {  	s0 =	sand.u32 $0x1, s1  }
0x8c: {  	s17 =	sshll.u32 s0, $0xA;
	s2 =	sadd.s32 s3, s2  }
0x8d: {  	s2 =	sadd.s32 s2, s17  }
0x8e: {  	[smem:$0x3FC6] =	sst s2  }
0x8f: {  	_ = 	snop  }
0x90: {  	s2 =	sld [smem:$0x3FC9]  }
0x91: {  	s18 =	sld [smem:$0x3FD0];
	(tm) =	ssettm $0x1  }
0x92: {  	s4 =	sld [smem:$0x3FFB];
	_ =	sdelay $0x3  }
0x93: {  	_ =	strace s4  }
0x94: {  	s4 =	sld [smem:$0x3FFC];
	_ =	sdelay $0x3  }
0x95: {  	_ =	strace s4  }
0x96: {  	s4 =	sld [smem:$0x3FFD];
	_ =	sdelay $0x3  }
0x97: {  	_ =	strace s4  }
0x98: {  	_ =	strace $0x8FFFFFFF  }
0x99: {  	s19 =	sld [smem:$0x3FDB];
	_ =	sdelay $0x1  }
0x9a: {  	s5 =	simm.s32 $_scs_section_size  }
0x9b: {  	s6 =	simm.s32 $_size__tile_overlayer_lowered;
	s7 =	simm.s32 $_tile_overlayer_lowered  }
0x9c: {  	s22 =	simm.s32 $0x1BFF;
	s21 =	sshll.u32 s7, $0x1;
	s4 =	sadd.s32 s5, s19  }
0x9d: {  	s8 =	simm.s32 $0x0;
	s20 =	sshll.u32 s6, $0x1;
	s6 =	sadd.s32 s21, s4  }
0x9e: {  	[timem:s8], [sflag:s22] =	dma.local [hbm:s6], s20  }
0x9f: {  	_ =	swait.ge [sflag:s22], s20  }
0xa0: {  	s5 =	ssub.s32 $0x0, s20;
	[sflag:s22] =	ssyncset.done $0x0  }
0xa1: {  	[sflag:s22] =	ssyncadd.s32 s5;
	_ =	sdelay $0x1  }
0xa2: {  	s23 =	simm.s32 $0x1B8B  }
0xa3: {  	_ =	swait.ge [sflag:s23], $0x1  }
0xa4: {  	[sflag:s23] =	ssyncset.done $0x0  }
0xa5: {  	s25 =	simm.s32 $0x1B8E;
	s24 =	sld [smem:$0x3FFE];
	[sflag:s23] =	ssyncadd.s32 $0xFFFFFFFF  }
0xa6: {  	s26 =	simm.s32 $execute0_lowered;
	[smem:$0x3FD2] =	sst s25  }
0xa7: {  	s6 =	sshll.u32 s26, $0x1;
	_ =	strace $0x80000046;
	[dreg:$0x1] =	wrdreg $0xFFFFFFFF  }
0xa8: {  	s28 =	simm.s32 $_size_execute0_lowered;
	s4 =	sadd.s32 s4, s6;
	[dreg:$0x0] =	wrdreg $0x0  }
0xa9: {  	s6 =	sshll.u32 s28, $0x1;
	[dreg:$0x2] =	wrdreg s4  }
0xaa: {  	[dreg:$0x3] =	wrdreg s6  }
0xab: {  	[dreg:$0x4] =	wrdreg $0xC0  }
0xac: {  	_ =	task [dreg:s8], $0x5FFFF  }
0xad: {  	[dreg:$0x1] =	wrdreg $0xFFFFFFFF  }
0xae: {  	[dreg:$0x0] =	wrdreg $0x60  }
0xaf: {  	[dreg:$0x2] =	wrdreg s2  }
0xb0: {  	[dreg:$0x3] =	wrdreg s24  }
0xb1: {  	[dreg:$0x4] =	wrdreg s18  }
0xb2: {  	[dreg:$0x5] =	wrdreg $0x9  }
0xb3: {  	_ =	task.clear_ibuf [dreg:s8], $0x6FFFF;
	_ =	strace $0x90000046  }
0xb4: {  	s29 =	simm.s32 $0x9;
	_ =	strace $0x80000048  }
0xb5: {  	_ =	swait.ge [sflag:s29], $0x1  }
0xb6: {  	[sflag:s29] =	ssyncadd.s32 $0xFFFFFFFF  }
0xb7: {  	_ =	strace $0x90000048  }
0xb8: {  	_ =	sfence  }
0xb9: {  	s30 =	sld [smem:$0x0];
	_ =	sdelay $0x2  }
0xba: {  	s31 =	sshll.u32 s1, $0xD;
	s1 =	sshrl.u32 s1, $0x2  }
0xbb: {  	s3 =	sand.u32 $0x4000, s31;
	s1 =	sadd.s32 s1, s30  }
0xbc: {  	s0 =	sor.u32 s3, s0;
	s1 =	sshll.u32 s1, $0x11  }
0xbd: {  	s0 =	sor.u32 s1, s0  }
0xbe: {  	s0 =	sadd.s32 $0x8F2B, s0  }
0xbf: {  	[sflag:s0] =	ssyncadd.remote.s32 $0x1  }
0xc0: {  	_ =	sfence.sel $0xFFFF  }
0xc1: {  	[dreg:$0x0] =	wrdreg $0xFFFFFFFF;
	(pc) =	sbr.abs _section_cstart, $3  }
0xc2: {  	[dreg:$0x1] =	wrdreg $0xFFFFFFFF  }
0xc3: {  	_ =	task.clear_ibuf [dreg:s8], $0x2FFFF;
	_ =	strace $0x9FFFFFFF  }
0xc4: {  	(tm) =	ssettm $0x7FFFFFFF  }
0xc5: {  	_ =	shalt  }
tec
execute0_lowered:
.L_overlay_start_1:
0x0: {  	(tag) =	ssettag $0x1  }
0x1: {  	s1 =	rddreg [dreg:$0x0]  }
0x2: {  	s0 =	rddreg [dreg:$0x1]  }
0x3: {  	s2 =	rddreg [dreg:$0x2]  }
0x4: {  	s3 =	srdreg.scid;
	s9 =	stileid.u32;
	s15 =	simm.s32 $0x400  }
0x5: {  	s14 =	simm.s32 $0x10C00;
	s31 =	simm.s32 $0x11400;
	s16 =	simm.s32 $0x11C00  }
0x6: {  	s17 =	simm.s32 $0x12C00;
	s18 =	simm.s32 $0x13C00;
	s11 =	simm.s32 $0x3  }
0x7: {  	s28 =	simm.s32 $0x4;
	s12 =	simm.s32 $0x5;
	s29 =	simm.s32 $0x6  }
0x8: {  	s30 =	simm.s32 $0x0;
	s4 =	sand.u32 $0x1, s3;
	s3 =	simm.s32 $0x0  }
0x9: {  	s5 =	sshll.u32 s9, $0xB;
	s9 =	sshll.u32 s9, $0x12;
	s6 =	sshll.u32 s4, $0xA  }
0xa: {  	[smem:$0x7FF] =	sst s3;
	s19 =	ssub.s32 $0x2, s4;
	s4 =	sshll.u32 s4, $0x11  }
0xb: {  	s5 =	sor.u32 s6, s5;
	_ =	strace $0x80000047;
	s8 =	sshrl.u32 s19, $0x1  }
0xc: {  	s6 =	sadd.s32 $0x200, s1;
	s7 =	sshrl.u32 s5, $0x3;
	s8 =	ssub.s32 s19, s8  }
0xd: {  	s20 =	sshll.u32 s5, $0x7;
	s5 =	sadd.s32 $0x100, s1;
	s19 =	simm.s32 $0x14C00  }
0xe: {  	s0 =	sadd.s32 s7, s0;
	s21 =	sadd.s32 s20, s2;
	s7 =	sadd.s32 $0x300, s1  }
0xf: {  	s2 =	sadd.s32 s9, s2;
	s25 =	smax.u32 s8, $0x1;
	s8 =	simm.s32 $0x15400  }
0x10: {  	s20 =	simm.s32 $0x15C00;
	s0 =	sadd.s32 $0x400, s0;
	[dreg:$0xb] =	wrdreg s25  }
0x11: {  	s9 =	simm.s32 $0x17400;
	s10 =	sadd.s32 $0x1B000, s21;
	[dreg:$0x5] =	wrdreg s0  }
0x12: {  	s22 =	sadd.s32 $0x1C000, s21;
	s23 =	sadd.s32 $0x1D000, s21;
	[dreg:$0x6] =	wrdreg s10  }
0x13: {  	s24 =	sadd.s32 $0x1E000, s21;
	s26 =	sadd.s32 s4, s2;
	[dreg:$0x7] =	wrdreg s22  }
0x14: {  	s2 =	simm.s32 $0x12400;
	s4 =	simm.s32 $0x13400;
	[dreg:$0x8] =	wrdreg s23  }
0x15: {  	s25 =	simm.s32 $0x17C00;
	[dreg:$0x9] =	wrdreg s24;
	s0 =	sadd.s32 $0x1F000, s21  }
0x16: {  	v0 =	vlaneseq.u32;
	[dreg:$0x4] =	wrdreg s26;
	s22 =	simm.s32 $0x10400;
	s23 =	simm.s32 $0x14400  }
0x17: {  	v1 =	vshrl.u32 v0, $0x3;
	s24 =	simm.s32 $0x16400;
	s21 =	simm.s32 $0x16C00;
	s10 =	simm.s32 $0x1  }
0x18: {  	vm0 =	vmmov $0xffff;
	v0 =	vand.u32 $0x7, v0;
	v1 =	vmul.u32 $0x8, v1;
	s26 =	simm.s32 $0x2;
	[dreg:$0xa] =	wrdreg s0;
	s0 =	simm.s32 $0x8400  }
.LBB2_1:
0x19: {  	s13 =	rddreg [dreg:$0x5]  }
0x1a: {  	[tilespmem:s3], [sflag:$0x7] =	stream.linear.gather [hbm4b:s13+s3], $0x400, $0x38;
	[tilespmem:$0x18400] =	vst v63  }
0x1b: {  	[dreg:$0xc] =	wrdreg s30;
	s13 =	simm.s32 $0x7  }
0x1c: {  	_ =	swait.ge [sflag:s13], $0x400  }
0x1d: {  	[sflag:s13] =	ssyncset.done $0x0  }
0x1e: {  	[sflag:s13] =	ssyncadd.s32 $0xFFFFFC00  }
0x1f: {  	v2 =	vld.msk [tilespmem:$0x0], $0xff;
	_ =	sdelay $0x4  }
0x20: {  	v3 =	vshll.u32 v2, $0x3  }
0x21: {  	v2 =	vand.u32 $0x7, v2;
	v3 =	vand.u32 $0xFFFFFFC0, v3  }
0x22: {  	v2 =	vor.u32 v2, v3  }
0x23: {  	v2 =	vperm.xlane v2, v0;
	_ =	sdelay $0x1  }
0x24: {  	v2 =	vadd.s32 v1, v2;
	_ =	sdelay $0x4  }
0x25: {  	[tilespmem:s15], [sflag:$0x1] =	stream.indirect_vreg.gather [hbm4b:s1+s3], $0x80, v2, vm0, $0xb8;
	[tilespmem:$0x18400] =	vst v63  }
0x26: {  	s13 =	simm.s32 $0xC00  }
0x27: {  	[tilespmem:s13], [sflag:$0x1] =	stream.indirect_vreg.gather [hbm4b:s5+s3], $0x80, v2, vm0, $0xb8;
	[tilespmem:$0x18400] =	vst v63  }
0x28: {  	s13 =	simm.s32 $0x1400  }
0x29: {  	[tilespmem:s13], [sflag:$0x1] =	stream.indirect_vreg.gather [hbm4b:s6+s3], $0x80, v2, vm0, $0xb8;
	[tilespmem:$0x18400] =	vst v63  }
0x2a: {  	s13 =	simm.s32 $0x1C00  }
0x2b: {  	[tilespmem:s13], [sflag:$0x1] =	stream.indirect_vreg.gather [hbm4b:s7+s3], $0x80, v2, vm0, $0xb8;
	[tilespmem:$0x18400] =	vst v63  }
0x2c: {  	v2 =	vld.msk [tilespmem:$0x8], $0xff;
	_ =	sdelay $0x4  }
0x2d: {  	v3 =	vshll.u32 v2, $0x3  }
0x2e: {  	v2 =	vand.u32 $0x7, v2;
	v3 =	vand.u32 $0xFFFFFFC0, v3  }
0x2f: {  	v2 =	vor.u32 v2, v3  }
0x30: {  	v2 =	vperm.xlane v2, v0;
	_ =	sdelay $0x1  }
0x31: {  	v2 =	vadd.s32 v1, v2;
	_ =	sdelay $0x3  }
0x32: {  	s13 =	simm.s32 $0x2400  }
0x33: {  	[tilespmem:s13], [sflag:$0x1] =	stream.indirect_vreg.gather [hbm4b:s1+s3], $0x80, v2, vm0, $0xb8;
	[tilespmem:$0x18400] =	vst v63  }
0x34: {  	s13 =	simm.s32 $0x2C00  }
0x35: {  	[tilespmem:s13], [sflag:$0x1] =	stream.indirect_vreg.gather [hbm4b:s5+s3], $0x80, v2, vm0, $0xb8;
	[tilespmem:$0x18400] =	vst v63  }
0x36: {  	s13 =	simm.s32 $0x3400  }
0x37: {  	[tilespmem:s13], [sflag:$0x1] =	stream.indirect_vreg.gather [hbm4b:s6+s3], $0x80, v2, vm0, $0xb8;
	[tilespmem:$0x18400] =	vst v63  }
0x38: {  	s13 =	simm.s32 $0x3C00  }
0x39: {  	[tilespmem:s13], [sflag:$0x1] =	stream.indirect_vreg.gather [hbm4b:s7+s3], $0x80, v2, vm0, $0xb8;
	[tilespmem:$0x18400] =	vst v63  }
0x3a: {  	v2 =	vld.msk [tilespmem:$0x10], $0xff;
	_ =	sdelay $0x4  }
0x3b: {  	v3 =	vshll.u32 v2, $0x3  }
0x3c: {  	v2 =	vand.u32 $0x7, v2;
	v3 =	vand.u32 $0xFFFFFFC0, v3  }
0x3d: {  	v2 =	vor.u32 v2, v3  }
0x3e: {  	v2 =	vperm.xlane v2, v0;
	_ =	sdelay $0x1  }
0x3f: {  	v2 =	vadd.s32 v1, v2;
	_ =	sdelay $0x3  }
0x40: {  	s13 =	simm.s32 $0x4400  }
0x41: {  	[tilespmem:s13], [sflag:$0x1] =	stream.indirect_vreg.gather [hbm4b:s1+s3], $0x80, v2, vm0, $0xb8;
	[tilespmem:$0x18400] =	vst v63  }
0x42: {  	s13 =	simm.s32 $0x4C00  }
0x43: {  	[tilespmem:s13], [sflag:$0x1] =	stream.indirect_vreg.gather [hbm4b:s5+s3], $0x80, v2, vm0, $0xb8;
	[tilespmem:$0x18400] =	vst v63  }
0x44: {  	s13 =	simm.s32 $0x5400  }
0x45: {  	[tilespmem:s13], [sflag:$0x1] =	stream.indirect_vreg.gather [hbm4b:s6+s3], $0x80, v2, vm0, $0xb8;
	[tilespmem:$0x18400] =	vst v63  }
0x46: {  	s13 =	simm.s32 $0x5C00  }
0x47: {  	[tilespmem:s13], [sflag:$0x1] =	stream.indirect_vreg.gather [hbm4b:s7+s3], $0x80, v2, vm0, $0xb8;
	[tilespmem:$0x18400] =	vst v63  }
0x48: {  	v2 =	vld.msk [tilespmem:$0x18], $0xff;
	_ =	sdelay $0x4  }
0x49: {  	v3 =	vshll.u32 v2, $0x3  }
0x4a: {  	v2 =	vand.u32 $0x7, v2;
	v3 =	vand.u32 $0xFFFFFFC0, v3  }
0x4b: {  	v2 =	vor.u32 v2, v3  }
0x4c: {  	v2 =	vperm.xlane v2, v0;
	_ =	sdelay $0x1  }
0x4d: {  	v2 =	vadd.s32 v1, v2;
	_ =	sdelay $0x3  }
0x4e: {  	s13 =	simm.s32 $0x6400  }
0x4f: {  	[tilespmem:s13], [sflag:$0x1] =	stream.indirect_vreg.gather [hbm4b:s1+s3], $0x80, v2, vm0, $0xb8;
	[tilespmem:$0x18400] =	vst v63  }
0x50: {  	s13 =	simm.s32 $0x6C00  }
0x51: {  	[tilespmem:s13], [sflag:$0x1] =	stream.indirect_vreg.gather [hbm4b:s5+s3], $0x80, v2, vm0, $0xb8;
	[tilespmem:$0x18400] =	vst v63  }
0x52: {  	s13 =	simm.s32 $0x7400  }
0x53: {  	[tilespmem:s13], [sflag:$0x1] =	stream.indirect_vreg.gather [hbm4b:s6+s3], $0x80, v2, vm0, $0xb8;
	[tilespmem:$0x18400] =	vst v63  }
0x54: {  	s13 =	simm.s32 $0x7C00  }
0x55: {  	[tilespmem:s13], [sflag:$0x1] =	stream.indirect_vreg.gather [hbm4b:s7+s3], $0x80, v2, vm0, $0xb8;
	[tilespmem:$0x18400] =	vst v63  }
0x56: {  	v2 =	vld.msk [tilespmem:$0x20], $0xff;
	_ =	sdelay $0x4  }
0x57: {  	v3 =	vshll.u32 v2, $0x3  }
0x58: {  	v2 =	vand.u32 $0x7, v2;
	v3 =	vand.u32 $0xFFFFFFC0, v3  }
0x59: {  	v2 =	vor.u32 v2, v3  }
0x5a: {  	v2 =	vperm.xlane v2, v0;
	_ =	sdelay $0x1  }
0x5b: {  	v2 =	vadd.s32 v1, v2;
	_ =	sdelay $0x4  }
0x5c: {  	[tilespmem:s0], [sflag:$0x2] =	stream.indirect_vreg.gather [hbm4b:s1+s3], $0x80, v2, vm0, $0xb8;
	[tilespmem:$0x18400] =	vst v63  }
0x5d: {  	s13 =	simm.s32 $0x8C00  }
0x5e: {  	[tilespmem:s13], [sflag:$0x2] =	stream.indirect_vreg.gather [hbm4b:s5+s3], $0x80, v2, vm0, $0xb8;
	[tilespmem:$0x18400] =	vst v63  }
0x5f: {  	s13 =	simm.s32 $0x9400  }
0x60: {  	[tilespmem:s13], [sflag:$0x2] =	stream.indirect_vreg.gather [hbm4b:s6+s3], $0x80, v2, vm0, $0xb8;
	[tilespmem:$0x18400] =	vst v63  }
0x61: {  	s13 =	simm.s32 $0x9C00  }
0x62: {  	[tilespmem:s13], [sflag:$0x2] =	stream.indirect_vreg.gather [hbm4b:s7+s3], $0x80, v2, vm0, $0xb8;
	[tilespmem:$0x18400] =	vst v63  }
0x63: {  	v2 =	vld.msk [tilespmem:$0x28], $0xff;
	_ =	sdelay $0x4  }
0x64: {  	v3 =	vshll.u32 v2, $0x3  }
0x65: {  	v2 =	vand.u32 $0x7, v2;
	v3 =	vand.u32 $0xFFFFFFC0, v3  }
0x66: {  	v2 =	vor.u32 v2, v3  }
0x67: {  	v2 =	vperm.xlane v2, v0;
	_ =	sdelay $0x1  }
0x68: {  	v2 =	vadd.s32 v1, v2;
	_ =	sdelay $0x3  }
0x69: {  	s13 =	simm.s32 $0xA400  }
0x6a: {  	[tilespmem:s13], [sflag:$0x2] =	stream.indirect_vreg.gather [hbm4b:s1+s3], $0x80, v2, vm0, $0xb8;
	[tilespmem:$0x18400] =	vst v63  }
0x6b: {  	s13 =	simm.s32 $0xAC00  }
0x6c: {  	[tilespmem:s13], [sflag:$0x2] =	stream.indirect_vreg.gather [hbm4b:s5+s3], $0x80, v2, vm0, $0xb8;
	[tilespmem:$0x18400] =	vst v63  }
0x6d: {  	s13 =	simm.s32 $0xB400  }
0x6e: {  	[tilespmem:s13], [sflag:$0x2] =	stream.indirect_vreg.gather [hbm4b:s6+s3], $0x80, v2, vm0, $0xb8;
	[tilespmem:$0x18400] =	vst v63  }
0x6f: {  	s13 =	simm.s32 $0xBC00  }
0x70: {  	[tilespmem:s13], [sflag:$0x2] =	stream.indirect_vreg.gather [hbm4b:s7+s3], $0x80, v2, vm0, $0xb8;
	[tilespmem:$0x18400] =	vst v63  }
0x71: {  	v2 =	vld.msk [tilespmem:$0x30], $0xff;
	_ =	sdelay $0x4  }
0x72: {  	v3 =	vshll.u32 v2, $0x3  }
0x73: {  	v2 =	vand.u32 $0x7, v2;
	v3 =	vand.u32 $0xFFFFFFC0, v3  }
0x74: {  	v2 =	vor.u32 v2, v3  }
0x75: {  	v2 =	vperm.xlane v2, v0;
	_ =	sdelay $0x1  }
0x76: {  	v2 =	vadd.s32 v1, v2;
	_ =	sdelay $0x3  }
0x77: {  	s13 =	simm.s32 $0xC400  }
0x78: {  	[tilespmem:s13], [sflag:$0x2] =	stream.indirect_vreg.gather [hbm4b:s1+s3], $0x80, v2, vm0, $0xb8;
	[tilespmem:$0x18400] =	vst v63  }
0x79: {  	s13 =	simm.s32 $0xCC00  }
0x7a: {  	[tilespmem:s13], [sflag:$0x2] =	stream.indirect_vreg.gather [hbm4b:s5+s3], $0x80, v2, vm0, $0xb8;
	[tilespmem:$0x18400] =	vst v63  }
0x7b: {  	s13 =	simm.s32 $0xD400  }
0x7c: {  	[tilespmem:s13], [sflag:$0x2] =	stream.indirect_vreg.gather [hbm4b:s6+s3], $0x80, v2, vm0, $0xb8;
	[tilespmem:$0x18400] =	vst v63  }
0x7d: {  	s13 =	simm.s32 $0xDC00  }
0x7e: {  	[tilespmem:s13], [sflag:$0x2] =	stream.indirect_vreg.gather [hbm4b:s7+s3], $0x80, v2, vm0, $0xb8;
	[tilespmem:$0x18400] =	vst v63  }
0x7f: {  	v2 =	vld.msk [tilespmem:$0x38], $0xff;
	_ =	sdelay $0x4  }
0x80: {  	v3 =	vshll.u32 v2, $0x3  }
0x81: {  	v2 =	vand.u32 $0x7, v2;
	v3 =	vand.u32 $0xFFFFFFC0, v3  }
0x82: {  	v2 =	vor.u32 v2, v3  }
0x83: {  	v2 =	vperm.xlane v2, v0;
	_ =	sdelay $0x1  }
0x84: {  	v2 =	vadd.s32 v1, v2;
	_ =	sdelay $0x3  }
0x85: {  	s13 =	simm.s32 $0xE400  }
0x86: {  	[tilespmem:s13], [sflag:$0x2] =	stream.indirect_vreg.gather [hbm4b:s1+s3], $0x80, v2, vm0, $0xb8;
	[tilespmem:$0x18400] =	vst v63  }
0x87: {  	s13 =	simm.s32 $0xEC00  }
0x88: {  	[tilespmem:s13], [sflag:$0x2] =	stream.indirect_vreg.gather [hbm4b:s5+s3], $0x80, v2, vm0, $0xb8;
	[tilespmem:$0x18400] =	vst v63  }
0x89: {  	s13 =	simm.s32 $0xF400  }
0x8a: {  	[tilespmem:s13], [sflag:$0x2] =	stream.indirect_vreg.gather [hbm4b:s6+s3], $0x80, v2, vm0, $0xb8;
	[tilespmem:$0x18400] =	vst v63  }
0x8b: {  	s13 =	simm.s32 $0xFC00  }
0x8c: {  	[tilespmem:s13], [sflag:$0x2] =	stream.indirect_vreg.gather [hbm4b:s7+s3], $0x80, v2, vm0, $0xb8;
	[tilespmem:$0x18400] =	vst v63  }
0x8d: {  	v2 =	vld.msk [tilespmem:$0x40], $0xff;
	_ =	sdelay $0x4  }
0x8e: {  	v3 =	vshll.u32 v2, $0x3  }
0x8f: {  	v2 =	vand.u32 $0x7, v2;
	v3 =	vand.u32 $0xFFFFFFC0, v3  }
0x90: {  	v2 =	vor.u32 v2, v3  }
0x91: {  	v2 =	vperm.xlane v2, v0;
	_ =	sdelay $0x1  }
0x92: {  	v2 =	vadd.s32 v1, v2;
	_ =	sdelay $0x4  }
0x93: {  	[tilespmem:s22], [sflag:$0x3] =	stream.indirect_vreg.gather [hbm4b:s1+s3], $0x80, v2, vm0, $0xb8;
	[tilespmem:$0x18400] =	vst v63  }
0x94: {  	_ = 	snop  }
0x95: {  	[tilespmem:s14], [sflag:$0x3] =	stream.indirect_vreg.gather [hbm4b:s5+s3], $0x80, v2, vm0, $0xb8;
	[tilespmem:$0x18400] =	vst v63  }
0x96: {  	_ = 	snop  }
0x97: {  	[tilespmem:s31], [sflag:$0x3] =	stream.indirect_vreg.gather [hbm4b:s6+s3], $0x80, v2, vm0, $0xb8;
	[tilespmem:$0x18400] =	vst v63  }
0x98: {  	_ = 	snop  }
0x99: {  	[tilespmem:s16], [sflag:$0x3] =	stream.indirect_vreg.gather [hbm4b:s7+s3], $0x80, v2, vm0, $0xb8;
	[tilespmem:$0x18400] =	vst v63  }
0x9a: {  	v2 =	vld.msk [tilespmem:$0x48], $0xff;
	_ =	sdelay $0x4  }
0x9b: {  	v3 =	vshll.u32 v2, $0x3  }
0x9c: {  	v2 =	vand.u32 $0x7, v2;
	v3 =	vand.u32 $0xFFFFFFC0, v3  }
0x9d: {  	v2 =	vor.u32 v2, v3  }
0x9e: {  	v2 =	vperm.xlane v2, v0;
	_ =	sdelay $0x1  }
0x9f: {  	v2 =	vadd.s32 v1, v2;
	_ =	sdelay $0x4  }
0xa0: {  	[tilespmem:s2], [sflag:$0x3] =	stream.indirect_vreg.gather [hbm4b:s1+s3], $0x80, v2, vm0, $0xb8;
	[tilespmem:$0x18400] =	vst v63  }
0xa1: {  	_ = 	snop  }
0xa2: {  	[tilespmem:s17], [sflag:$0x3] =	stream.indirect_vreg.gather [hbm4b:s5+s3], $0x80, v2, vm0, $0xb8;
	[tilespmem:$0x18400] =	vst v63  }
0xa3: {  	_ = 	snop  }
0xa4: {  	[tilespmem:s4], [sflag:$0x3] =	stream.indirect_vreg.gather [hbm4b:s6+s3], $0x80, v2, vm0, $0xb8;
	[tilespmem:$0x18400] =	vst v63  }
0xa5: {  	_ = 	snop  }
0xa6: {  	[tilespmem:s18], [sflag:$0x3] =	stream.indirect_vreg.gather [hbm4b:s7+s3], $0x80, v2, vm0, $0xb8;
	[tilespmem:$0x18400] =	vst v63  }
0xa7: {  	v2 =	vld.msk [tilespmem:$0x50], $0xff;
	_ =	sdelay $0x4  }
0xa8: {  	v3 =	vshll.u32 v2, $0x3  }
0xa9: {  	v2 =	vand.u32 $0x7, v2;
	v3 =	vand.u32 $0xFFFFFFC0, v3  }
0xaa: {  	v2 =	vor.u32 v2, v3  }
0xab: {  	v2 =	vperm.xlane v2, v0;
	_ =	sdelay $0x1  }
0xac: {  	v2 =	vadd.s32 v1, v2;
	_ =	sdelay $0x4  }
0xad: {  	[tilespmem:s23], [sflag:$0x3] =	stream.indirect_vreg.gather [hbm4b:s1+s3], $0x80, v2, vm0, $0xb8;
	[tilespmem:$0x18400] =	vst v63  }
0xae: {  	_ = 	snop  }
0xaf: {  	[tilespmem:s19], [sflag:$0x3] =	stream.indirect_vreg.gather [hbm4b:s5+s3], $0x80, v2, vm0, $0xb8;
	[tilespmem:$0x18400] =	vst v63  }
0xb0: {  	_ = 	snop  }
0xb1: {  	[tilespmem:s8], [sflag:$0x3] =	stream.indirect_vreg.gather [hbm4b:s6+s3], $0x80, v2, vm0, $0xb8;
	[tilespmem:$0x18400] =	vst v63  }
0xb2: {  	_ = 	snop  }
0xb3: {  	[tilespmem:s20], [sflag:$0x3] =	stream.indirect_vreg.gather [hbm4b:s7+s3], $0x80, v2, vm0, $0xb8;
	[tilespmem:$0x18400] =	vst v63  }
0xb4: {  	v2 =	vld.msk [tilespmem:$0x58], $0xff;
	_ =	sdelay $0x4  }
0xb5: {  	v3 =	vshll.u32 v2, $0x3  }
0xb6: {  	v2 =	vand.u32 $0x7, v2;
	v3 =	vand.u32 $0xFFFFFFC0, v3  }
0xb7: {  	v2 =	vor.u32 v2, v3  }
0xb8: {  	v2 =	vperm.xlane v2, v0;
	_ =	sdelay $0x1  }
0xb9: {  	v2 =	vadd.s32 v1, v2;
	_ =	sdelay $0x4  }
0xba: {  	[tilespmem:s24], [sflag:$0x3] =	stream.indirect_vreg.gather [hbm4b:s1+s3], $0x80, v2, vm0, $0xb8;
	[tilespmem:$0x18400] =	vst v63  }
0xbb: {  	s30 =	simm.s32 $0x0;
	s13 =	simm.s32 $0xB8  }
0xbc: {  	[tilespmem:s21], [sflag:$0x3] =	stream.indirect_vreg.gather [hbm4b:s5+s3], $0x80, v2, vm0, $0xb8;
	[tilespmem:$0x18400] =	vst v63  }
0xbd: {  	s16 =	simm.s32 $0x11C00;
	s17 =	simm.s32 $0x12C00;
	s18 =	simm.s32 $0x13C00  }
0xbe: {  	[tilespmem:s9], [sflag:$0x3] =	stream.indirect_vreg.gather [hbm4b:s6+s3], $0x80, v2, vm0, $0xb8;
	[tilespmem:$0x18400] =	vst v63  }
0xbf: {  	s19 =	simm.s32 $0x14C00;
	s20 =	simm.s32 $0x15C00;
	s21 =	simm.s32 $0x16C00  }
0xc0: {  	[tilespmem:s25], [sflag:$0x3] =	stream.indirect_vreg.gather [hbm4b:s7+s3], $0x80, v2, vm0, $0xb8;
	[tilespmem:$0x18400] =	vst v63  }
.LBB2_2:
0xc1: {  	_ =	swait.ge [sflag:s10], $0x8000  }
0xc2: {  	s14 =	rddreg [dreg:$0x4];
	[sflag:s10] =	ssyncset.done $0x0  }
0xc3: {  	[sflag:s10] =	ssyncadd.s32 $0xFFFF8000;
	s14 =	sadd.s32 s30, s14  }
0xc4: {  	[hbm4b:s14+s3] =	stream.linear.scatter [tilespmem:s15], [sflag:$0x4], $0x8000, $0x38;
	[tilespmem:$0x18400] =	vst v63  }
0xc5: {  	_ =	swait.ge [sflag:s26], $0x8000  }
0xc6: {  	[sflag:s26] =	ssyncset.done $0x0  }
0xc7: {  	s31 =	sadd.s32 $0x1000, s14;
	[sflag:s26] =	ssyncadd.s32 $0xFFFF8000  }
0xc8: {  	[hbm4b:s31+s3] =	stream.linear.scatter [tilespmem:s0], [sflag:$0x5], $0x8000, $0x38;
	[tilespmem:$0x18400] =	vst v63  }
0xc9: {  	_ =	swait.ge [sflag:s11], $0x8000  }
0xca: {  	[sflag:s11] =	ssyncset.done $0x0  }
0xcb: {  	s14 =	sadd.s32 $0x2000, s14;
	[sflag:s11] =	ssyncadd.s32 $0xFFFF8000  }
0xcc: {  	[hbm4b:s14+s3] =	stream.linear.scatter [tilespmem:s22], [sflag:$0x6], $0x8000, $0x38;
	[tilespmem:$0x18400] =	vst v63  }
0xcd: {  	_ =	swait.ge [sflag:s28], $0x8000  }
0xce: {  	[sflag:s28] =	ssyncset.done $0x0  }
0xcf: {  	[sflag:s28] =	ssyncadd.s32 $0xFFFF8000  }
0xd0: {  	v2 =	vld.msk [tilespmem:s13+$0xFFFFFFA8], $0xff;
	_ =	sdelay $0x4  }
0xd1: {  	v3 =	vshll.u32 v2, $0x3  }
0xd2: {  	v2 =	vand.u32 $0x7, v2;
	v3 =	vand.u32 $0xFFFFFFC0, v3  }
0xd3: {  	v2 =	vor.u32 v2, v3  }
0xd4: {  	v2 =	vperm.xlane v2, v0;
	_ =	sdelay $0x1  }
0xd5: {  	v2 =	vadd.s32 v1, v2;
	_ =	sdelay $0x4  }
0xd6: {  	[tilespmem:s15], [sflag:$0x1] =	stream.indirect_vreg.gather [hbm4b:s1+s3], $0x80, v2, vm0, $0xb8;
	[tilespmem:$0x18400] =	vst v63  }
0xd7: {  	s2 =	simm.s32 $0xC00  }
0xd8: {  	[tilespmem:s2], [sflag:$0x1] =	stream.indirect_vreg.gather [hbm4b:s5+s3], $0x80, v2, vm0, $0xb8;
	[tilespmem:$0x18400] =	vst v63  }
0xd9: {  	s4 =	simm.s32 $0x1400  }
0xda: {  	[tilespmem:s4], [sflag:$0x1] =	stream.indirect_vreg.gather [hbm4b:s6+s3], $0x80, v2, vm0, $0xb8;
	[tilespmem:$0x18400] =	vst v63  }
0xdb: {  	s8 =	simm.s32 $0x1C00  }
0xdc: {  	[tilespmem:s8], [sflag:$0x1] =	stream.indirect_vreg.gather [hbm4b:s7+s3], $0x80, v2, vm0, $0xb8;
	[tilespmem:$0x18400] =	vst v63  }
0xdd: {  	v2 =	vld.msk [tilespmem:s13+$0xFFFFFFB0], $0xff;
	_ =	sdelay $0x4  }
0xde: {  	v3 =	vshll.u32 v2, $0x3  }
0xdf: {  	v2 =	vand.u32 $0x7, v2;
	v3 =	vand.u32 $0xFFFFFFC0, v3  }
0xe0: {  	v2 =	vor.u32 v2, v3  }
0xe1: {  	v2 =	vperm.xlane v2, v0;
	_ =	sdelay $0x1  }
0xe2: {  	v2 =	vadd.s32 v1, v2;
	_ =	sdelay $0x3  }
0xe3: {  	s9 =	simm.s32 $0x2400  }
0xe4: {  	[tilespmem:s9], [sflag:$0x1] =	stream.indirect_vreg.gather [hbm4b:s1+s3], $0x80, v2, vm0, $0xb8;
	[tilespmem:$0x18400] =	vst v63  }
0xe5: {  	s23 =	simm.s32 $0x2C00  }
0xe6: {  	[tilespmem:s23], [sflag:$0x1] =	stream.indirect_vreg.gather [hbm4b:s5+s3], $0x80, v2, vm0, $0xb8;
	[tilespmem:$0x18400] =	vst v63  }
0xe7: {  	s24 =	simm.s32 $0x3400  }
0xe8: {  	[tilespmem:s24], [sflag:$0x1] =	stream.indirect_vreg.gather [hbm4b:s6+s3], $0x80, v2, vm0, $0xb8;
	[tilespmem:$0x18400] =	vst v63  }
0xe9: {  	s2 =	simm.s32 $0x3C00  }
0xea: {  	[tilespmem:s2], [sflag:$0x1] =	stream.indirect_vreg.gather [hbm4b:s7+s3], $0x80, v2, vm0, $0xb8;
	[tilespmem:$0x18400] =	vst v63  }
0xeb: {  	v2 =	vld.msk [tilespmem:s13+$0xFFFFFFB8], $0xff;
	_ =	sdelay $0x4  }
0xec: {  	v3 =	vshll.u32 v2, $0x3  }
0xed: {  	v2 =	vand.u32 $0x7, v2;
	v3 =	vand.u32 $0xFFFFFFC0, v3  }
0xee: {  	v2 =	vor.u32 v2, v3  }
0xef: {  	v2 =	vperm.xlane v2, v0;
	_ =	sdelay $0x1  }
0xf0: {  	v2 =	vadd.s32 v1, v2;
	_ =	sdelay $0x3  }
0xf1: {  	s4 =	simm.s32 $0x4400  }
0xf2: {  	[tilespmem:s4], [sflag:$0x1] =	stream.indirect_vreg.gather [hbm4b:s1+s3], $0x80, v2, vm0, $0xb8;
	[tilespmem:$0x18400] =	vst v63  }
0xf3: {  	s8 =	simm.s32 $0x4C00  }
0xf4: {  	[tilespmem:s8], [sflag:$0x1] =	stream.indirect_vreg.gather [hbm4b:s5+s3], $0x80, v2, vm0, $0xb8;
	[tilespmem:$0x18400] =	vst v63  }
0xf5: {  	s9 =	simm.s32 $0x5400  }
0xf6: {  	[tilespmem:s9], [sflag:$0x1] =	stream.indirect_vreg.gather [hbm4b:s6+s3], $0x80, v2, vm0, $0xb8;
	[tilespmem:$0x18400] =	vst v63  }
0xf7: {  	s23 =	simm.s32 $0x5C00  }
0xf8: {  	[tilespmem:s23], [sflag:$0x1] =	stream.indirect_vreg.gather [hbm4b:s7+s3], $0x80, v2, vm0, $0xb8;
	[tilespmem:$0x18400] =	vst v63  }
0xf9: {  	v2 =	vld.msk [tilespmem:s13+$0xFFFFFFC0], $0xff;
	_ =	sdelay $0x4  }
0xfa: {  	v3 =	vshll.u32 v2, $0x3  }
0xfb: {  	v2 =	vand.u32 $0x7, v2;
	v3 =	vand.u32 $0xFFFFFFC0, v3  }
0xfc: {  	v2 =	vor.u32 v2, v3  }
0xfd: {  	v2 =	vperm.xlane v2, v0;
	_ =	sdelay $0x1  }
0xfe: {  	v2 =	vadd.s32 v1, v2;
	_ =	sdelay $0x3  }
0xff: {  	s24 =	simm.s32 $0x6400  }
0x100: {  	[tilespmem:s24], [sflag:$0x1] =	stream.indirect_vreg.gather [hbm4b:s1+s3], $0x80, v2, vm0, $0xb8;
	[tilespmem:$0x18400] =	vst v63  }
0x101: {  	s2 =	simm.s32 $0x6C00  }
0x102: {  	[tilespmem:s2], [sflag:$0x1] =	stream.indirect_vreg.gather [hbm4b:s5+s3], $0x80, v2, vm0, $0xb8;
	[tilespmem:$0x18400] =	vst v63  }
0x103: {  	s4 =	simm.s32 $0x7400  }
0x104: {  	[tilespmem:s4], [sflag:$0x1] =	stream.indirect_vreg.gather [hbm4b:s6+s3], $0x80, v2, vm0, $0xb8;
	[tilespmem:$0x18400] =	vst v63  }
0x105: {  	s8 =	simm.s32 $0x7C00  }
0x106: {  	[tilespmem:s8], [sflag:$0x1] =	stream.indirect_vreg.gather [hbm4b:s7+s3], $0x80, v2, vm0, $0xb8;
	[tilespmem:$0x18400] =	vst v63  }
0x107: {  	_ =	swait.ge [sflag:s12], $0x8000  }
0x108: {  	[sflag:s12] =	ssyncset.done $0x0  }
0x109: {  	[sflag:s12] =	ssyncadd.s32 $0xFFFF8000  }
0x10a: {  	v2 =	vld.msk [tilespmem:s13+$0xFFFFFFC8], $0xff;
	_ =	sdelay $0x4  }
0x10b: {  	v3 =	vshll.u32 v2, $0x3  }
0x10c: {  	v2 =	vand.u32 $0x7, v2;
	v3 =	vand.u32 $0xFFFFFFC0, v3  }
0x10d: {  	v2 =	vor.u32 v2, v3  }
0x10e: {  	v2 =	vperm.xlane v2, v0;
	_ =	sdelay $0x1  }
0x10f: {  	v2 =	vadd.s32 v1, v2;
	_ =	sdelay $0x4  }
0x110: {  	[tilespmem:s0], [sflag:$0x2] =	stream.indirect_vreg.gather [hbm4b:s1+s3], $0x80, v2, vm0, $0xb8;
	[tilespmem:$0x18400] =	vst v63  }
0x111: {  	s9 =	simm.s32 $0x8C00  }
0x112: {  	[tilespmem:s9], [sflag:$0x2] =	stream.indirect_vreg.gather [hbm4b:s5+s3], $0x80, v2, vm0, $0xb8;
	[tilespmem:$0x18400] =	vst v63  }
0x113: {  	s23 =	simm.s32 $0x9400  }
0x114: {  	[tilespmem:s23], [sflag:$0x2] =	stream.indirect_vreg.gather [hbm4b:s6+s3], $0x80, v2, vm0, $0xb8;
	[tilespmem:$0x18400] =	vst v63  }
0x115: {  	s24 =	simm.s32 $0x9C00  }
0x116: {  	[tilespmem:s24], [sflag:$0x2] =	stream.indirect_vreg.gather [hbm4b:s7+s3], $0x80, v2, vm0, $0xb8;
	[tilespmem:$0x18400] =	vst v63  }
0x117: {  	v2 =	vld.msk [tilespmem:s13+$0xFFFFFFD0], $0xff;
	_ =	sdelay $0x4  }
0x118: {  	v3 =	vshll.u32 v2, $0x3  }
0x119: {  	v2 =	vand.u32 $0x7, v2;
	v3 =	vand.u32 $0xFFFFFFC0, v3  }
0x11a: {  	v2 =	vor.u32 v2, v3  }
0x11b: {  	v2 =	vperm.xlane v2, v0;
	_ =	sdelay $0x1  }
0x11c: {  	v2 =	vadd.s32 v1, v2;
	_ =	sdelay $0x3  }
0x11d: {  	s2 =	simm.s32 $0xA400  }
0x11e: {  	[tilespmem:s2], [sflag:$0x2] =	stream.indirect_vreg.gather [hbm4b:s1+s3], $0x80, v2, vm0, $0xb8;
	[tilespmem:$0x18400] =	vst v63  }
0x11f: {  	s4 =	simm.s32 $0xAC00  }
0x120: {  	[tilespmem:s4], [sflag:$0x2] =	stream.indirect_vreg.gather [hbm4b:s5+s3], $0x80, v2, vm0, $0xb8;
	[tilespmem:$0x18400] =	vst v63  }
0x121: {  	s8 =	simm.s32 $0xB400  }
0x122: {  	[tilespmem:s8], [sflag:$0x2] =	stream.indirect_vreg.gather [hbm4b:s6+s3], $0x80, v2, vm0, $0xb8;
	[tilespmem:$0x18400] =	vst v63  }
0x123: {  	s9 =	simm.s32 $0xBC00  }
0x124: {  	[tilespmem:s9], [sflag:$0x2] =	stream.indirect_vreg.gather [hbm4b:s7+s3], $0x80, v2, vm0, $0xb8;
	[tilespmem:$0x18400] =	vst v63  }
0x125: {  	v2 =	vld.msk [tilespmem:s13+$0xFFFFFFD8], $0xff;
	_ =	sdelay $0x4  }
0x126: {  	v3 =	vshll.u32 v2, $0x3  }
0x127: {  	v2 =	vand.u32 $0x7, v2;
	v3 =	vand.u32 $0xFFFFFFC0, v3  }
0x128: {  	v2 =	vor.u32 v2, v3  }
0x129: {  	v2 =	vperm.xlane v2, v0;
	_ =	sdelay $0x1  }
0x12a: {  	v2 =	vadd.s32 v1, v2;
	_ =	sdelay $0x3  }
0x12b: {  	s23 =	simm.s32 $0xC400  }
0x12c: {  	[tilespmem:s23], [sflag:$0x2] =	stream.indirect_vreg.gather [hbm4b:s1+s3], $0x80, v2, vm0, $0xb8;
	[tilespmem:$0x18400] =	vst v63  }
0x12d: {  	s24 =	simm.s32 $0xCC00  }
0x12e: {  	[tilespmem:s24], [sflag:$0x2] =	stream.indirect_vreg.gather [hbm4b:s5+s3], $0x80, v2, vm0, $0xb8;
	[tilespmem:$0x18400] =	vst v63  }
0x12f: {  	s2 =	simm.s32 $0xD400  }
0x130: {  	[tilespmem:s2], [sflag:$0x2] =	stream.indirect_vreg.gather [hbm4b:s6+s3], $0x80, v2, vm0, $0xb8;
	[tilespmem:$0x18400] =	vst v63  }
0x131: {  	s4 =	simm.s32 $0xDC00  }
0x132: {  	[tilespmem:s4], [sflag:$0x2] =	stream.indirect_vreg.gather [hbm4b:s7+s3], $0x80, v2, vm0, $0xb8;
	[tilespmem:$0x18400] =	vst v63  }
0x133: {  	v2 =	vld.msk [tilespmem:s13+$0xFFFFFFE0], $0xff;
	_ =	sdelay $0x4  }
0x134: {  	v3 =	vshll.u32 v2, $0x3  }
0x135: {  	v2 =	vand.u32 $0x7, v2;
	v3 =	vand.u32 $0xFFFFFFC0, v3  }
0x136: {  	v2 =	vor.u32 v2, v3  }
0x137: {  	v2 =	vperm.xlane v2, v0;
	_ =	sdelay $0x1  }
0x138: {  	v2 =	vadd.s32 v1, v2;
	_ =	sdelay $0x3  }
0x139: {  	s23 =	simm.s32 $0xE400  }
0x13a: {  	[tilespmem:s23], [sflag:$0x2] =	stream.indirect_vreg.gather [hbm4b:s1+s3], $0x80, v2, vm0, $0xb8;
	[tilespmem:$0x18400] =	vst v63  }
0x13b: {  	s8 =	simm.s32 $0xEC00  }
0x13c: {  	[tilespmem:s8], [sflag:$0x2] =	stream.indirect_vreg.gather [hbm4b:s5+s3], $0x80, v2, vm0, $0xb8;
	[tilespmem:$0x18400] =	vst v63  }
0x13d: {  	s24 =	simm.s32 $0xF400  }
0x13e: {  	[tilespmem:s24], [sflag:$0x2] =	stream.indirect_vreg.gather [hbm4b:s6+s3], $0x80, v2, vm0, $0xb8;
	[tilespmem:$0x18400] =	vst v63  }
0x13f: {  	s9 =	simm.s32 $0xFC00  }
0x140: {  	[tilespmem:s9], [sflag:$0x2] =	stream.indirect_vreg.gather [hbm4b:s7+s3], $0x80, v2, vm0, $0xb8;
	[tilespmem:$0x18400] =	vst v63  }
0x141: {  	_ =	swait.ge [sflag:s29], $0x8000  }
0x142: {  	[sflag:s29] =	ssyncset.done $0x0  }
0x143: {  	[sflag:s29] =	ssyncadd.s32 $0xFFFF8000  }
0x144: {  	v2 =	vld.msk [tilespmem:s13+$0xFFFFFFE8], $0xff;
	_ =	sdelay $0x4  }
0x145: {  	v3 =	vshll.u32 v2, $0x3  }
0x146: {  	v2 =	vand.u32 $0x7, v2;
	v3 =	vand.u32 $0xFFFFFFC0, v3  }
0x147: {  	v2 =	vor.u32 v2, v3  }
0x148: {  	v2 =	vperm.xlane v2, v0;
	_ =	sdelay $0x1  }
0x149: {  	v2 =	vadd.s32 v1, v2;
	_ =	sdelay $0x4  }
0x14a: {  	[tilespmem:s22], [sflag:$0x3] =	stream.indirect_vreg.gather [hbm4b:s1+s3], $0x80, v2, vm0, $0xb8;
	[tilespmem:$0x18400] =	vst v63  }
0x14b: {  	s14 =	simm.s32 $0x10C00  }
0x14c: {  	[tilespmem:s14], [sflag:$0x3] =	stream.indirect_vreg.gather [hbm4b:s5+s3], $0x80, v2, vm0, $0xb8;
	[tilespmem:$0x18400] =	vst v63  }
0x14d: {  	s31 =	simm.s32 $0x11400  }
0x14e: {  	[tilespmem:s31], [sflag:$0x3] =	stream.indirect_vreg.gather [hbm4b:s6+s3], $0x80, v2, vm0, $0xb8;
	[tilespmem:$0x18400] =	vst v63  }
0x14f: {  	_ = 	snop  }
0x150: {  	[tilespmem:s16], [sflag:$0x3] =	stream.indirect_vreg.gather [hbm4b:s7+s3], $0x80, v2, vm0, $0xb8;
	[tilespmem:$0x18400] =	vst v63  }
0x151: {  	v2 =	vld.msk [tilespmem:s13+$0xFFFFFFF0], $0xff;
	_ =	sdelay $0x4  }
0x152: {  	v3 =	vshll.u32 v2, $0x3  }
0x153: {  	v2 =	vand.u32 $0x7, v2;
	v3 =	vand.u32 $0xFFFFFFC0, v3  }
0x154: {  	v2 =	vor.u32 v2, v3  }
0x155: {  	v2 =	vperm.xlane v2, v0;
	_ =	sdelay $0x1  }
0x156: {  	v2 =	vadd.s32 v1, v2;
	_ =	sdelay $0x3  }
0x157: {  	s2 =	simm.s32 $0x12400  }
0x158: {  	[tilespmem:s2], [sflag:$0x3] =	stream.indirect_vreg.gather [hbm4b:s1+s3], $0x80, v2, vm0, $0xb8;
	[tilespmem:$0x18400] =	vst v63  }
0x159: {  	_ = 	snop  }
0x15a: {  	[tilespmem:s17], [sflag:$0x3] =	stream.indirect_vreg.gather [hbm4b:s5+s3], $0x80, v2, vm0, $0xb8;
	[tilespmem:$0x18400] =	vst v63  }
0x15b: {  	s4 =	simm.s32 $0x13400  }
0x15c: {  	[tilespmem:s4], [sflag:$0x3] =	stream.indirect_vreg.gather [hbm4b:s6+s3], $0x80, v2, vm0, $0xb8;
	[tilespmem:$0x18400] =	vst v63  }
0x15d: {  	_ = 	snop  }
0x15e: {  	[tilespmem:s18], [sflag:$0x3] =	stream.indirect_vreg.gather [hbm4b:s7+s3], $0x80, v2, vm0, $0xb8;
	[tilespmem:$0x18400] =	vst v63  }
0x15f: {  	v2 =	vld.msk [tilespmem:s13+$0xFFFFFFF8], $0xff;
	_ =	sdelay $0x4  }
0x160: {  	v3 =	vshll.u32 v2, $0x3  }
0x161: {  	v2 =	vand.u32 $0x7, v2;
	v3 =	vand.u32 $0xFFFFFFC0, v3  }
0x162: {  	v2 =	vor.u32 v2, v3  }
0x163: {  	v2 =	vperm.xlane v2, v0;
	_ =	sdelay $0x1  }
0x164: {  	v2 =	vadd.s32 v1, v2;
	_ =	sdelay $0x3  }
0x165: {  	s23 =	simm.s32 $0x14400  }
0x166: {  	[tilespmem:s23], [sflag:$0x3] =	stream.indirect_vreg.gather [hbm4b:s1+s3], $0x80, v2, vm0, $0xb8;
	[tilespmem:$0x18400] =	vst v63  }
0x167: {  	_ = 	snop  }
0x168: {  	[tilespmem:s19], [sflag:$0x3] =	stream.indirect_vreg.gather [hbm4b:s5+s3], $0x80, v2, vm0, $0xb8;
	[tilespmem:$0x18400] =	vst v63  }
0x169: {  	s8 =	simm.s32 $0x15400  }
0x16a: {  	[tilespmem:s8], [sflag:$0x3] =	stream.indirect_vreg.gather [hbm4b:s6+s3], $0x80, v2, vm0, $0xb8;
	[tilespmem:$0x18400] =	vst v63  }
0x16b: {  	_ = 	snop  }
0x16c: {  	[tilespmem:s20], [sflag:$0x3] =	stream.indirect_vreg.gather [hbm4b:s7+s3], $0x80, v2, vm0, $0xb8;
	[tilespmem:$0x18400] =	vst v63  }
0x16d: {  	v2 =	vld.msk [tilespmem:s13+$0x0], $0xff;
	_ =	sdelay $0x4  }
0x16e: {  	v3 =	vshll.u32 v2, $0x3  }
0x16f: {  	v2 =	vand.u32 $0x7, v2;
	v3 =	vand.u32 $0xFFFFFFC0, v3  }
0x170: {  	v2 =	vor.u32 v2, v3  }
0x171: {  	v2 =	vperm.xlane v2, v0;
	_ =	sdelay $0x1  }
0x172: {  	v2 =	vadd.s32 v1, v2;
	_ =	sdelay $0x3  }
0x173: {  	s24 =	simm.s32 $0x16400  }
0x174: {  	[tilespmem:s24], [sflag:$0x3] =	stream.indirect_vreg.gather [hbm4b:s1+s3], $0x80, v2, vm0, $0xb8;
	[tilespmem:$0x18400] =	vst v63  }
0x175: {  	p0 =	sne.s32 s30, $0x18000  }
0x176: {  	[tilespmem:s21], [sflag:$0x3] =	stream.indirect_vreg.gather [hbm4b:s5+s3], $0x80, v2, vm0, $0xb8;
	[tilespmem:$0x18400] =	vst v63  }
.Ltmp0:
0x177: {  	_ = 	snop;
	(pc) =	sbr.rel @p0 .LBB2_2-.Ltmp0, $4  }
0x178: {  	s9 =	simm.s32 $0x17400  }
0x179: {  	[tilespmem:s9], [sflag:$0x3] =	stream.indirect_vreg.gather [hbm4b:s6+s3], $0x80, v2, vm0, $0xb8;
	[tilespmem:$0x18400] =	vst v63  }
0x17a: {  	s30 =	sadd.s32 $0x3000, s30;
	s13 =	sadd.s32 $0x60, s13  }
0x17b: {  	[tilespmem:s25], [sflag:$0x3] =	stream.indirect_vreg.gather [hbm4b:s7+s3], $0x80, v2, vm0, $0xb8;
	[tilespmem:$0x18400] =	vst v63  }
0x17c: {  	_ =	swait.ge [sflag:s10], $0x8000  }
0x17d: {  	[sflag:s10] =	ssyncset.done $0x0  }
0x17e: {  	s13 =	rddreg [dreg:$0x6];
	[sflag:s10] =	ssyncadd.s32 $0xFFFF8000  }
0x17f: {  	[hbm4b:s13+s3] =	stream.linear.scatter [tilespmem:s15], [sflag:$0x4], $0x8000, $0x38;
	[tilespmem:$0x18400] =	vst v63  }
0x180: {  	_ =	swait.ge [sflag:s26], $0x8000  }
0x181: {  	[sflag:s26] =	ssyncset.done $0x0  }
0x182: {  	s17 =	rddreg [dreg:$0x7];
	[sflag:s26] =	ssyncadd.s32 $0xFFFF8000  }
0x183: {  	[hbm4b:s17+s3] =	stream.linear.scatter [tilespmem:s0], [sflag:$0x5], $0x8000, $0x38;
	[tilespmem:$0x18400] =	vst v63  }
0x184: {  	_ =	swait.ge [sflag:s11], $0x8000  }
0x185: {  	[sflag:s11] =	ssyncset.done $0x0  }
0x186: {  	s18 =	rddreg [dreg:$0x8];
	[sflag:s11] =	ssyncadd.s32 $0xFFFF8000  }
0x187: {  	[hbm4b:s18+s3] =	stream.linear.scatter [tilespmem:s22], [sflag:$0x6], $0x8000, $0x38;
	[tilespmem:$0x18400] =	vst v63  }
0x188: {  	_ =	swait.ge [sflag:s28], $0x8000  }
0x189: {  	[sflag:s28] =	ssyncset.done $0x0  }
0x18a: {  	[sflag:s28] =	ssyncadd.s32 $0xFFFF8000  }
0x18b: {  	v2 =	vld.msk [tilespmem:$0x3C0], $0xff;
	_ =	sdelay $0x4  }
0x18c: {  	v3 =	vshll.u32 v2, $0x3  }
0x18d: {  	v2 =	vand.u32 $0x7, v2;
	v3 =	vand.u32 $0xFFFFFFC0, v3  }
0x18e: {  	v2 =	vor.u32 v2, v3  }
0x18f: {  	v2 =	vperm.xlane v2, v0;
	_ =	sdelay $0x1  }
0x190: {  	v2 =	vadd.s32 v1, v2;
	_ =	sdelay $0x4  }
0x191: {  	[tilespmem:s15], [sflag:$0x1] =	stream.indirect_vreg.gather [hbm4b:s1+s3], $0x80, v2, vm0, $0xb8;
	[tilespmem:$0x18400] =	vst v63  }
0x192: {  	s19 =	simm.s32 $0xC00  }
0x193: {  	[tilespmem:s19], [sflag:$0x1] =	stream.indirect_vreg.gather [hbm4b:s5+s3], $0x80, v2, vm0, $0xb8;
	[tilespmem:$0x18400] =	vst v63  }
0x194: {  	s20 =	simm.s32 $0x1400  }
0x195: {  	[tilespmem:s20], [sflag:$0x1] =	stream.indirect_vreg.gather [hbm4b:s6+s3], $0x80, v2, vm0, $0xb8;
	[tilespmem:$0x18400] =	vst v63  }
0x196: {  	s21 =	simm.s32 $0x1C00  }
0x197: {  	[tilespmem:s21], [sflag:$0x1] =	stream.indirect_vreg.gather [hbm4b:s7+s3], $0x80, v2, vm0, $0xb8;
	[tilespmem:$0x18400] =	vst v63  }
0x198: {  	v2 =	vld.msk [tilespmem:$0x3C8], $0xff;
	_ =	sdelay $0x4  }
0x199: {  	v3 =	vshll.u32 v2, $0x3  }
0x19a: {  	v2 =	vand.u32 $0x7, v2;
	v3 =	vand.u32 $0xFFFFFFC0, v3  }
0x19b: {  	v2 =	vor.u32 v2, v3  }
0x19c: {  	v2 =	vperm.xlane v2, v0;
	_ =	sdelay $0x1  }
0x19d: {  	v2 =	vadd.s32 v1, v2;
	_ =	sdelay $0x3  }
0x19e: {  	s16 =	simm.s32 $0x2400  }
0x19f: {  	[tilespmem:s16], [sflag:$0x1] =	stream.indirect_vreg.gather [hbm4b:s1+s3], $0x80, v2, vm0, $0xb8;
	[tilespmem:$0x18400] =	vst v63  }
0x1a0: {  	s17 =	simm.s32 $0x2C00  }
0x1a1: {  	[tilespmem:s17], [sflag:$0x1] =	stream.indirect_vreg.gather [hbm4b:s5+s3], $0x80, v2, vm0, $0xb8;
	[tilespmem:$0x18400] =	vst v63  }
0x1a2: {  	s18 =	simm.s32 $0x3400  }
0x1a3: {  	[tilespmem:s18], [sflag:$0x1] =	stream.indirect_vreg.gather [hbm4b:s6+s3], $0x80, v2, vm0, $0xb8;
	[tilespmem:$0x18400] =	vst v63  }
0x1a4: {  	s19 =	simm.s32 $0x3C00  }
0x1a5: {  	[tilespmem:s19], [sflag:$0x1] =	stream.indirect_vreg.gather [hbm4b:s7+s3], $0x80, v2, vm0, $0xb8;
	[tilespmem:$0x18400] =	vst v63  }
0x1a6: {  	v2 =	vld.msk [tilespmem:$0x3D0], $0xff;
	_ =	sdelay $0x4  }
0x1a7: {  	v3 =	vshll.u32 v2, $0x3  }
0x1a8: {  	v2 =	vand.u32 $0x7, v2;
	v3 =	vand.u32 $0xFFFFFFC0, v3  }
0x1a9: {  	v2 =	vor.u32 v2, v3  }
0x1aa: {  	v2 =	vperm.xlane v2, v0;
	_ =	sdelay $0x1  }
0x1ab: {  	v2 =	vadd.s32 v1, v2;
	_ =	sdelay $0x3  }
0x1ac: {  	s20 =	simm.s32 $0x4400  }
0x1ad: {  	[tilespmem:s20], [sflag:$0x1] =	stream.indirect_vreg.gather [hbm4b:s1+s3], $0x80, v2, vm0, $0xb8;
	[tilespmem:$0x18400] =	vst v63  }
0x1ae: {  	s21 =	simm.s32 $0x4C00  }
0x1af: {  	[tilespmem:s21], [sflag:$0x1] =	stream.indirect_vreg.gather [hbm4b:s5+s3], $0x80, v2, vm0, $0xb8;
	[tilespmem:$0x18400] =	vst v63  }
0x1b0: {  	s16 =	simm.s32 $0x5400  }
0x1b1: {  	[tilespmem:s16], [sflag:$0x1] =	stream.indirect_vreg.gather [hbm4b:s6+s3], $0x80, v2, vm0, $0xb8;
	[tilespmem:$0x18400] =	vst v63  }
0x1b2: {  	s17 =	simm.s32 $0x5C00  }
0x1b3: {  	[tilespmem:s17], [sflag:$0x1] =	stream.indirect_vreg.gather [hbm4b:s7+s3], $0x80, v2, vm0, $0xb8;
	[tilespmem:$0x18400] =	vst v63  }
0x1b4: {  	v2 =	vld.msk [tilespmem:$0x3D8], $0xff;
	_ =	sdelay $0x4  }
0x1b5: {  	v3 =	vshll.u32 v2, $0x3  }
0x1b6: {  	v2 =	vand.u32 $0x7, v2;
	v3 =	vand.u32 $0xFFFFFFC0, v3  }
0x1b7: {  	v2 =	vor.u32 v2, v3  }
0x1b8: {  	v2 =	vperm.xlane v2, v0;
	_ =	sdelay $0x1  }
0x1b9: {  	v2 =	vadd.s32 v1, v2;
	_ =	sdelay $0x3  }
0x1ba: {  	s18 =	simm.s32 $0x6400  }
0x1bb: {  	[tilespmem:s18], [sflag:$0x1] =	stream.indirect_vreg.gather [hbm4b:s1+s3], $0x80, v2, vm0, $0xb8;
	[tilespmem:$0x18400] =	vst v63  }
0x1bc: {  	s19 =	simm.s32 $0x6C00  }
0x1bd: {  	[tilespmem:s19], [sflag:$0x1] =	stream.indirect_vreg.gather [hbm4b:s5+s3], $0x80, v2, vm0, $0xb8;
	[tilespmem:$0x18400] =	vst v63  }
0x1be: {  	s20 =	simm.s32 $0x7400  }
0x1bf: {  	[tilespmem:s20], [sflag:$0x1] =	stream.indirect_vreg.gather [hbm4b:s6+s3], $0x80, v2, vm0, $0xb8;
	[tilespmem:$0x18400] =	vst v63  }
0x1c0: {  	s21 =	simm.s32 $0x7C00  }
0x1c1: {  	[tilespmem:s21], [sflag:$0x1] =	stream.indirect_vreg.gather [hbm4b:s7+s3], $0x80, v2, vm0, $0xb8;
	[tilespmem:$0x18400] =	vst v63  }
0x1c2: {  	_ =	swait.ge [sflag:s12], $0x8000  }
0x1c3: {  	[sflag:s12] =	ssyncset.done $0x0  }
0x1c4: {  	[sflag:s12] =	ssyncadd.s32 $0xFFFF8000  }
0x1c5: {  	v2 =	vld.msk [tilespmem:$0x3E0], $0xff;
	_ =	sdelay $0x4  }
0x1c6: {  	v3 =	vshll.u32 v2, $0x3  }
0x1c7: {  	v2 =	vand.u32 $0x7, v2;
	v3 =	vand.u32 $0xFFFFFFC0, v3  }
0x1c8: {  	v2 =	vor.u32 v2, v3  }
0x1c9: {  	v2 =	vperm.xlane v2, v0;
	_ =	sdelay $0x1  }
0x1ca: {  	v2 =	vadd.s32 v1, v2;
	_ =	sdelay $0x4  }
0x1cb: {  	[tilespmem:s0], [sflag:$0x2] =	stream.indirect_vreg.gather [hbm4b:s1+s3], $0x80, v2, vm0, $0xb8;
	[tilespmem:$0x18400] =	vst v63  }
0x1cc: {  	s16 =	simm.s32 $0x8C00  }
0x1cd: {  	[tilespmem:s16], [sflag:$0x2] =	stream.indirect_vreg.gather [hbm4b:s5+s3], $0x80, v2, vm0, $0xb8;
	[tilespmem:$0x18400] =	vst v63  }
0x1ce: {  	s17 =	simm.s32 $0x9400  }
0x1cf: {  	[tilespmem:s17], [sflag:$0x2] =	stream.indirect_vreg.gather [hbm4b:s6+s3], $0x80, v2, vm0, $0xb8;
	[tilespmem:$0x18400] =	vst v63  }
0x1d0: {  	s18 =	simm.s32 $0x9C00  }
0x1d1: {  	[tilespmem:s18], [sflag:$0x2] =	stream.indirect_vreg.gather [hbm4b:s7+s3], $0x80, v2, vm0, $0xb8;
	[tilespmem:$0x18400] =	vst v63  }
0x1d2: {  	v2 =	vld.msk [tilespmem:$0x3E8], $0xff;
	_ =	sdelay $0x4  }
0x1d3: {  	v3 =	vshll.u32 v2, $0x3  }
0x1d4: {  	v2 =	vand.u32 $0x7, v2;
	v3 =	vand.u32 $0xFFFFFFC0, v3  }
0x1d5: {  	v2 =	vor.u32 v2, v3  }
0x1d6: {  	v2 =	vperm.xlane v2, v0;
	_ =	sdelay $0x1  }
0x1d7: {  	v2 =	vadd.s32 v1, v2;
	_ =	sdelay $0x3  }
0x1d8: {  	s19 =	simm.s32 $0xA400  }
0x1d9: {  	[tilespmem:s19], [sflag:$0x2] =	stream.indirect_vreg.gather [hbm4b:s1+s3], $0x80, v2, vm0, $0xb8;
	[tilespmem:$0x18400] =	vst v63  }
0x1da: {  	s20 =	simm.s32 $0xAC00  }
0x1db: {  	[tilespmem:s20], [sflag:$0x2] =	stream.indirect_vreg.gather [hbm4b:s5+s3], $0x80, v2, vm0, $0xb8;
	[tilespmem:$0x18400] =	vst v63  }
0x1dc: {  	s21 =	simm.s32 $0xB400  }
0x1dd: {  	[tilespmem:s21], [sflag:$0x2] =	stream.indirect_vreg.gather [hbm4b:s6+s3], $0x80, v2, vm0, $0xb8;
	[tilespmem:$0x18400] =	vst v63  }
0x1de: {  	s16 =	simm.s32 $0xBC00  }
0x1df: {  	[tilespmem:s16], [sflag:$0x2] =	stream.indirect_vreg.gather [hbm4b:s7+s3], $0x80, v2, vm0, $0xb8;
	[tilespmem:$0x18400] =	vst v63  }
0x1e0: {  	v2 =	vld.msk [tilespmem:$0x3F0], $0xff;
	_ =	sdelay $0x4  }
0x1e1: {  	v3 =	vshll.u32 v2, $0x3  }
0x1e2: {  	v2 =	vand.u32 $0x7, v2;
	v3 =	vand.u32 $0xFFFFFFC0, v3  }
0x1e3: {  	v2 =	vor.u32 v2, v3  }
0x1e4: {  	v2 =	vperm.xlane v2, v0;
	_ =	sdelay $0x1  }
0x1e5: {  	v2 =	vadd.s32 v1, v2;
	_ =	sdelay $0x3  }
0x1e6: {  	s17 =	simm.s32 $0xC400  }
0x1e7: {  	[tilespmem:s17], [sflag:$0x2] =	stream.indirect_vreg.gather [hbm4b:s1+s3], $0x80, v2, vm0, $0xb8;
	[tilespmem:$0x18400] =	vst v63  }
0x1e8: {  	s18 =	simm.s32 $0xCC00  }
0x1e9: {  	[tilespmem:s18], [sflag:$0x2] =	stream.indirect_vreg.gather [hbm4b:s5+s3], $0x80, v2, vm0, $0xb8;
	[tilespmem:$0x18400] =	vst v63  }
0x1ea: {  	s19 =	simm.s32 $0xD400  }
0x1eb: {  	[tilespmem:s19], [sflag:$0x2] =	stream.indirect_vreg.gather [hbm4b:s6+s3], $0x80, v2, vm0, $0xb8;
	[tilespmem:$0x18400] =	vst v63  }
0x1ec: {  	s20 =	simm.s32 $0xDC00  }
0x1ed: {  	[tilespmem:s20], [sflag:$0x2] =	stream.indirect_vreg.gather [hbm4b:s7+s3], $0x80, v2, vm0, $0xb8;
	[tilespmem:$0x18400] =	vst v63  }
0x1ee: {  	v2 =	vld.msk [tilespmem:$0x3F8], $0xff;
	_ =	sdelay $0x4  }
0x1ef: {  	v3 =	vshll.u32 v2, $0x3  }
0x1f0: {  	v2 =	vand.u32 $0x7, v2;
	v3 =	vand.u32 $0xFFFFFFC0, v3  }
0x1f1: {  	v2 =	vor.u32 v2, v3  }
0x1f2: {  	v2 =	vperm.xlane v2, v0;
	_ =	sdelay $0x1  }
0x1f3: {  	v2 =	vadd.s32 v1, v2;
	_ =	sdelay $0x3  }
0x1f4: {  	s21 =	simm.s32 $0xE400  }
0x1f5: {  	[tilespmem:s21], [sflag:$0x2] =	stream.indirect_vreg.gather [hbm4b:s1+s3], $0x80, v2, vm0, $0xb8;
	[tilespmem:$0x18400] =	vst v63  }
0x1f6: {  	s16 =	simm.s32 $0xEC00  }
0x1f7: {  	[tilespmem:s16], [sflag:$0x2] =	stream.indirect_vreg.gather [hbm4b:s5+s3], $0x80, v2, vm0, $0xb8;
	[tilespmem:$0x18400] =	vst v63  }
0x1f8: {  	s17 =	simm.s32 $0xF400  }
0x1f9: {  	[tilespmem:s17], [sflag:$0x2] =	stream.indirect_vreg.gather [hbm4b:s6+s3], $0x80, v2, vm0, $0xb8;
	[tilespmem:$0x18400] =	vst v63  }
0x1fa: {  	s18 =	simm.s32 $0xFC00  }
0x1fb: {  	[tilespmem:s18], [sflag:$0x2] =	stream.indirect_vreg.gather [hbm4b:s7+s3], $0x80, v2, vm0, $0xb8;
	[tilespmem:$0x18400] =	vst v63  }
0x1fc: {  	_ =	swait.ge [sflag:s29], $0x8000  }
0x1fd: {  	[sflag:s29] =	ssyncset.done $0x0  }
0x1fe: {  	[sflag:s29] =	ssyncadd.s32 $0xFFFF8000  }
0x1ff: {  	_ =	swait.ge [sflag:s10], $0x8000  }
0x200: {  	[sflag:s10] =	ssyncset.done $0x0  }
0x201: {  	s19 =	rddreg [dreg:$0x9];
	[sflag:s10] =	ssyncadd.s32 $0xFFFF8000  }
0x202: {  	[hbm4b:s19+s3] =	stream.linear.scatter [tilespmem:s15], [sflag:$0x4], $0x8000, $0x38;
	[tilespmem:$0x18400] =	vst v63  }
0x203: {  	_ =	swait.ge [sflag:s26], $0x8000  }
0x204: {  	[sflag:s26] =	ssyncset.done $0x0  }
0x205: {  	s20 =	rddreg [dreg:$0xa];
	[sflag:s26] =	ssyncadd.s32 $0xFFFF8000  }
0x206: {  	[hbm4b:s20+s3] =	stream.linear.scatter [tilespmem:s0], [sflag:$0x5], $0x8000, $0x38;
	[tilespmem:$0x18400] =	vst v63  }
0x207: {  	_ =	swait.ge [sflag:s28], $0x8000  }
0x208: {  	[sflag:s28] =	ssyncset.done $0x0  }
0x209: {  	[sflag:s28] =	ssyncadd.s32 $0xFFFF8000  }
0x20a: {  	_ =	swait.ge [sflag:s12], $0x8000  }
0x20b: {  	s30 =	rddreg [dreg:$0xc]  }
0x20c: {  	s21 =	rddreg [dreg:$0xb];
	s30 =	sadd.s32 $0x1, s30  }
0x20d: {  	p0 =	sne.s32 s30, s21  }
.Ltmp1:
0x20e: {  	_ = 	snop;
	(pc) =	sbr.rel @p0 .LBB2_1-.Ltmp1, $4  }
0x20f: {  	_ = 	snop  }
0x210: {  	s16 =	simm.s32 $0x11C00;
	s17 =	simm.s32 $0x12C00  }
0x211: {  	s18 =	simm.s32 $0x13C00;
	s19 =	simm.s32 $0x14C00;
	[sflag:s12] =	ssyncset.done $0x0  }
0x212: {  	s20 =	simm.s32 $0x15C00;
	[sflag:s12] =	ssyncadd.s32 $0xFFFF8000;
	s21 =	simm.s32 $0x16C00  }
0x213: {  	_ =	sfence.sel $0x180000  }
0x214: {  	[bflag:$0x0] =	sbarrier.arrive $0xFFFF  }
0x215: {  	_ =	strace $0x90000047  }
0x216: {  	s0 =	stileid.u32;
	[bflag:$0x2] =	sbarrier.arrive $0xFFFF  }
0x217: {  	p0 =	sne.s32 s0, $0x0;
	s0 =	rddreg [dreg:$0x3]  }
0x218: {  	s0 =	sadd.s32 @!p0 $0x100000, s0  }
0x219: {  	[sflag:s0] =	ssyncadd.tile.s32 @!p0 $0x1;
	_ =	shalt  }
.Lfunc_end2:
_tile_overlayer_lowered:
.L_overlay_start_2:
0x21a: {  	(tag) =	ssettag $0x2  }
0x21b: {  	s0 =	rddreg [dreg:$0x0];
	s2 =	stileid.u32  }
0x21c: {  	s1 =	rddreg [dreg:$0x1];
	p0 =	sne.s32 s2, $0x0  }
0x21d: {  	s3 =	rddreg [dreg:$0x2];
	[bflag:$0x3] =	sbarrier.arrive $0xFFFF;
	s2 =	simm.s32 @!p0 $0x1C07  }
0x21e: {  	[timem:s3], [sflag:s2] =	dma.local @!p0 [hbm:s0], s1  }
0x21f: {  	s0 =	simm.s32 @!p0 $0x7  }
0x220: {  	_ =	swait.ge @!p0 [sflag:s0], s1  }
0x221: {  	s1 =	ssub.s32 @!p0 $0x0, s1;
	[sflag:s0] =	ssyncset.done @!p0 $0x0  }
0x222: {  	[sflag:s0] =	ssyncadd.s32 @!p0 s1  }
0x223: {  	[bflag:$0x3] =	sbarrier.arrive $0xFFFF  }
0x224: {  	_ =	shalt  }

</sc_bundles>
